<compile_context>
chip_gen: v7x
topology: tpu7x:2x2x1
jax: 0.10.2.dev20260603
libtpu: 0.0.44.dev20260713+nightly
codegen_flags: <defaults>
</compile_context>

<pallas_src>
import numpy as np
import jax
import jax.numpy as jnp
from jax import lax
from jax.experimental import pallas as pl
from jax.experimental.pallas import tpu as pltpu, tpu_sc as plsc

_B = 16
_H = 224
_W = 224
_HW = _H * _W
_N_T = 1000
_BETA1 = 0.0001
_BETA2 = 0.02

_NC = 2
_NS = 16
_NW = _NC * _NS
_HALF = _HW // 2
_VECS = _HALF // 16


def _tf2x32(k1, k2, x0, x1):
    rot = ((13, 15, 26, 6), (17, 29, 16, 24))
    ks = (np.uint32(k1), np.uint32(k2),
          np.uint32(np.uint32(k1) ^ np.uint32(k2) ^ np.uint32(0x1BD11BDA)))
    x = [x0.astype(np.uint32) + ks[0], x1.astype(np.uint32) + ks[1]]
    kidx = (1, 2, 0, 1, 2)
    with np.errstate(over='ignore'):
        for r in range(5):
            for d in rot[r % 2]:
                x[0] = (x[0] + x[1]).astype(np.uint32)
                x[1] = ((x[1] << np.uint32(d)) | (x[1] >> np.uint32(32 - d))).astype(np.uint32)
                x[1] = x[0] ^ x[1]
            x[0] = (x[0] + ks[kidx[r] % 3]).astype(np.uint32)
            x[1] = (x[1] + ks[(kidx[r] + 1) % 3] + np.uint32(r + 1)).astype(np.uint32)
    return x[0], x[1]


def _iota_2x32(n):
    i = np.arange(n, dtype=np.uint64)
    return (i >> np.uint64(32)).astype(np.uint32), (i & np.uint64(0xFFFFFFFF)).astype(np.uint32)


def _prng_split(key, num):
    c1, c2 = _iota_2x32(num)
    b1, b2 = _tf2x32(key[0], key[1], c1, c2)
    return [(b1[i], b2[i]) for i in range(num)]


def _random_bits32(key, n):
    c1, c2 = _iota_2x32(n)
    b1, b2 = _tf2x32(key[0], key[1], c1, c2)
    return b1 ^ b2


def _prng_uniform(key, shape):
    n = int(np.prod(shape))
    fb = (_random_bits32(key, n) >> np.uint32(9)) | np.uint32(0x3F800000)
    return (fb.view(np.float32) - np.float32(1.0)).reshape(shape)


def _prng_randint_scalar(key, minval, maxval):
    ks = _prng_split(key, 2)
    higher = _random_bits32(ks[0], 1)
    lower = _random_bits32(ks[1], 1)
    span = np.uint32(maxval - minval)
    mult = np.uint32(np.uint32(65536) % span)
    mult = np.uint32((np.uint64(mult) * np.uint64(mult)) % np.uint64(span))
    off = (np.uint64(higher[0] % span) * np.uint64(mult)
           + np.uint64(lower[0] % span)) % np.uint64(span)
    return int(minval + int(off))


def _build_perm():
    key = (np.uint32(0), np.uint32(1))
    kt, kd = _prng_split(key, 2)
    tval = _prng_randint_scalar(kt, 1, _N_T)
    noise_t = (np.float32(_BETA2 - _BETA1) * np.arange(_N_T + 1, dtype=np.float32)
               / np.float32(_N_T) + np.float32(_BETA1))
    nt = noise_t[tval]
    k1, k2 = _prng_split(kd, 2)
    u1 = _prng_uniform(k1, (_H, _W))
    u2 = _prng_uniform(k2, (_H, _W))
    delta1 = (u1 - np.float32(0.5)) * np.float32(2.0) * nt * np.float32(_H)
    delta2 = (u2 - np.float32(0.5)) * np.float32(2.0) * nt * np.float32(_W)
    rows0, cols0 = np.meshgrid(np.arange(_H, dtype=np.int32),
                               np.arange(_W, dtype=np.int32), indexing='ij')
    cols = (cols0 + delta1.astype(np.int32)) % _H
    rows = (rows0 + delta2.astype(np.int32)) % _W
    p2 = rows.reshape(-1).astype(np.int64) * _W + cols.reshape(-1).astype(np.int64)
    src = np.arange(_HW, dtype=np.int32)
    for p in range(_HW):
        q = p2[p]
        a = src[p]
        b = src[q]
        src[p] = b
        src[q] = a
    return src, tval


_PERM_NP, _TVAL = _build_perm()

_ROWS_PER_HALF = _H // 2
_VECS_PER_ROW = _W // 16
_NACC = 4

_PERM_RC_NP = ((_PERM_NP.astype(np.int32) // _W) << 16) | (_PERM_NP.astype(np.int32) % _W)


@jax.jit
def _sc_mse(x, perm_rc, sv):
    _mesh = plsc.VectorSubcoreMesh(core_axis_name="c", subcore_axis_name="s")

    @pl.kernel(
        out_type=jax.ShapeDtypeStruct((_NW, 16), jnp.float32),
        mesh=_mesh,
        compiler_params=pltpu.CompilerParams(needs_layout_passes=False),
        scratch_types=[
            pltpu.VMEM((_H, _W), jnp.float32),
            pltpu.VMEM((_HALF,), jnp.int32),
            pltpu.VMEM((2, 16), jnp.float32),
            pltpu.VMEM((16,), jnp.float32),
        ],
    )
    def k(x_hbm, perm_hbm, sv_hbm, out_hbm, row_v, perm_v, sv_v, out_v):
        cid = lax.axis_index("c")
        sid = lax.axis_index("s")
        wid = sid * _NC + cid
        b = wid // 2
        h = wid % 2
        r0 = h * _ROWS_PER_HALF
        pltpu.sync_copy(x_hbm.at[b, 0], row_v)
        pltpu.sync_copy(perm_hbm.at[pl.ds(h * _HALF, _HALF)], perm_v)
        pltpu.sync_copy(sv_hbm, sv_v)
        w = sv_v[0, :]
        c0 = sv_v[1, :]

        def it(j, accs):
            jb = j * _W
            accs = list(accs)
            for kk in range(_VECS_PER_ROW):
                idxw = perm_v[pl.ds(jb + 16 * kk, 16)]
                ri = lax.shift_right_logical(idxw, 16)
                ci = lax.bitwise_and(idxw, jnp.int32(0xFFFF))
                g = plsc.load_gather(row_v, [ri, ci])
                d = row_v[r0 + j, pl.ds(16 * kk, 16)]
                e = d - (g * w + c0)
                a = kk % _NACC
                accs[a] = accs[a] + e * e
            return tuple(accs)

        z = jnp.zeros((16,), jnp.float32)
        accs = lax.fori_loop(0, _ROWS_PER_HALF, it, (z,) * _NACC)
        out_v[...] = (accs[0] + accs[1]) + (accs[2] + accs[3])
        pltpu.sync_copy(out_v, out_hbm.at[wid])

    return k(x, perm_rc, sv)


def kernel(x, w_scale, w_time, b_gt):
    c0 = jnp.float32(_TVAL / _N_T) * w_time + b_gt
    sv = jnp.broadcast_to(jnp.stack([w_scale, c0])[:, None], (2, 16)).astype(jnp.float32)
    perm_rc = jnp.asarray(_PERM_RC_NP)
    partial = _sc_mse(x, perm_rc, sv)
    return jnp.sum(partial) / jnp.float32(_B * _HW)

# --- scband reference (transcript-rebuilt; emitter-appended) ---
"""Pipeline reference for scband-dmcustom-28338194219111 (READ-ONLY COPY).

The authoritative reference and input builder live on the scoring server;
editing this copy changes nothing except your own understanding.
"""

import jax, jax.numpy as jnp
import numpy as np

B = 16
C = 1
H = 224
W = 224
N_T = 1000
BETA1 = 0.0001
BETA2 = 0.02


def _noise_schedule():
    return (BETA2 - BETA1) * jnp.arange(0, N_T + 1, dtype=jnp.float32) / N_T + BETA1


def _degrade(z, t, key):
    noise_t = _noise_schedule()
    nt = noise_t[t]  # shape (1,)
    k1, k2 = jax.random.split(key)
    delta1 = (jax.random.uniform(k1, (H, W), dtype=jnp.float32) - 0.5) * 2.0 * nt * H
    delta2 = (jax.random.uniform(k2, (H, W), dtype=jnp.float32) - 0.5) * 2.0 * nt * W
    rows0, cols0 = jnp.meshgrid(jnp.arange(H, dtype=jnp.int32), jnp.arange(W, dtype=jnp.int32), indexing='ij')
    # faithful to original (note original swaps the modulus bases; H == W so in-range)
    cols = (cols0 + delta1.astype(jnp.int32)) % H
    rows = (rows0 + delta2.astype(jnp.int32)) % W
    ii = jnp.repeat(jnp.arange(H, dtype=jnp.int32), W)
    jj = jnp.tile(jnp.arange(W, dtype=jnp.int32), H)
    rr = rows.reshape(-1)
    cc = cols.reshape(-1)
    idxs = jnp.stack([ii, jj, rr, cc], axis=1)

    def body(zc, idx):
        i = idx[0]
        j = idx[1]
        r = idx[2]
        c = idx[3]
        a = zc[:, 0, i, j]
        b = zc[:, 0, r, c]
        # torch tuple-assign semantics: RHS read first, then write (i,j) then (r,c)
        zc = zc.at[:, 0, i, j].set(b)
        zc = zc.at[:, 0, r, c].set(a)
        return zc, None

    z, _ = jax.lax.scan(body, z, idxs)
    return z


def _gt(z, tvec, w_scale, w_time, b_gt):
    # simple pointwise-affine denoiser network standing in for `gt`
    return z * w_scale + tvec[:, None, None, None] * w_time + b_gt


def setup_inputs(seed: int = 0) -> dict:
    key = jax.random.key(seed)
    k1, k2, k3, k4 = jax.random.split(key, 4)
    x = jax.random.normal(k1, (B, C, H, W), dtype=jnp.float32)
    w_scale = 1.0 + 0.1 * jax.random.normal(k2, (), dtype=jnp.float32)
    w_time = 0.1 * jax.random.normal(k3, (), dtype=jnp.float32)
    b_gt = 0.1 * jax.random.normal(k4, (), dtype=jnp.float32)
    return {"x": x, "w_scale": w_scale, "w_time": w_time, "b_gt": b_gt}


def reference(x, w_scale, w_time, b_gt):
    key = jax.random.key(1)
    kt, kd = jax.random.split(key)
    t = jax.random.randint(kt, (1,), 1, N_T)
    z_t = _degrade(x, t, kd)
    tvec = t.astype(jnp.float32) / N_T * jnp.ones((x.shape[0],), dtype=jnp.float32)
    pred = _gt(z_t, tvec, w_scale, w_time, b_gt)
    return jnp.mean((x - pred) ** 2)

if __name__ == "__main__":
    import jax
    _d = setup_inputs()
    print(jax.jit(kernel)(*tuple(_d.values())))

</pallas_src>

<mosaic_0001>
#map = affine_map<(d0, d1) -> (0, 0, 0, 0)>
#map1 = affine_map<(d0, d1) -> (0)>
#map2 = affine_map<(d0, d1) -> (0, 0)>
module attributes {stable_mosaic.version = 14 : i64} {
  func.func @k(%arg0: i32, %arg1: i32, %arg2: memref<16x1x224x224xf32, #tpu.memory_space<hbm>>, %arg3: memref<50176xi32, #tpu.memory_space<hbm>>, %arg4: memref<2x16xf32, #tpu.memory_space<hbm>>, %arg5: memref<32x16xf32, #tpu.memory_space<hbm>>, %arg6: memref<224x224xf32, #tpu.memory_space<vmem>>, %arg7: memref<25088xi32, #tpu.memory_space<vmem>>, %arg8: memref<2x16xf32, #tpu.memory_space<vmem>>, %arg9: memref<16xf32, #tpu.memory_space<vmem>>) attributes {dimension_semantics = [#tpu.dimension_semantics<core_parallel>, #tpu.dimension_semantics<subcore_parallel>], iteration_bounds = array<i64: 2, 16>, scalar_prefetch = 0 : i64, scratch_operands = 4 : i64, tpu.core_type = #tpu.core_type<sc_vector_subcore>, window_params = [{transform_indices = #map}, {transform_indices = #map1}, {transform_indices = #map2}, {transform_indices = #map2}]} {
    %mul3A = arith.constant 2 : i32
    %mul3A_0 = arith.muli %arg1, %mul3A : i32
    %add3A = arith.addi %mul3A_0, %arg0 : i32
    %jit3A = arith.constant 2 : i32
    %div3A = arith.divsi %add3A, %jit3A : i32
    %sign3A = arith.constant 0 : i32
    %sign3A_1 = arith.cmpi sgt, %add3A, %sign3A : i32
    %sign3A_2 = arith.extui %sign3A_1 : i1 to i32
    %sign3A_3 = arith.constant 0 : i32
    %sign3A_4 = arith.cmpi slt, %add3A, %sign3A_3 : i32
    %sign3A_5 = arith.extui %sign3A_4 : i1 to i32
    %sign3A_6 = arith.subi %sign3A_2, %sign3A_5 : i32
    %sign3A_7 = arith.constant 0 : i32
    %sign3A_8 = arith.cmpi sgt, %jit3A, %sign3A_7 : i32
    %sign3A_9 = arith.extui %sign3A_8 : i1 to i32
    %sign3A_10 = arith.constant 0 : i32
    %sign3A_11 = arith.cmpi slt, %jit3A, %sign3A_10 : i32
    %sign3A_12 = arith.extui %sign3A_11 : i1 to i32
    %sign3A_13 = arith.subi %sign3A_9, %sign3A_12 : i32
    %ne3A = arith.cmpi ne, %sign3A_6, %sign3A_13 : i32
    %rem3A = arith.remsi %add3A, %jit3A : i32
    %ne3A_14 = arith.constant 0 : i32
    %ne3A_15 = arith.cmpi ne, %rem3A, %ne3A_14 : i32
    %and3A = arith.andi %ne3A, %ne3A_15 : i1
    %sub3A = arith.constant 1 : i32
    %sub3A_16 = arith.subi %div3A, %sub3A : i32
    %select_n3A = arith.select %and3A, %sub3A_16, %div3A : i32
    %jit3A_17 = arith.constant 2 : i32
    %eq3A = arith.constant 0 : i32
    %eq3A_18 = arith.cmpi eq, %jit3A_17, %eq3A : i32
    %jit3A_19 = arith.constant 1 : i32
    %select_n3A_20 = arith.select %eq3A_18, %jit3A_19, %jit3A_17 : i32
    %rem3A_21 = arith.remsi %add3A, %select_n3A_20 : i32
    %ne3A_22 = arith.constant 0 : i32
    %ne3A_23 = arith.cmpi ne, %rem3A_21, %ne3A_22 : i32
    %lt3A = arith.constant 0 : i32
    %lt3A_24 = arith.cmpi slt, %rem3A_21, %lt3A : i32
    %lt3A_25 = arith.constant 0 : i32
    %lt3A_26 = arith.cmpi slt, %select_n3A_20, %lt3A_25 : i32
    %ne3A_27 = arith.xori %lt3A_24, %lt3A_26 : i1
    %and3A_28 = arith.andi %ne3A_27, %ne3A_23 : i1
    %add3A_29 = arith.addi %rem3A_21, %select_n3A_20 : i32
    %select_n3A_30 = arith.select %and3A_28, %add3A_29, %rem3A_21 : i32
    %mul3A_31 = arith.constant 112 : i32
    %mul3A_32 = arith.muli %select_n3A_30, %mul3A_31 : i32
    %run_scoped3A = arith.constant 0 : i32
    "tpu.region"() ({
      %run_scoped3A_52 = tpu.sem_alloc : memref<!tpu.dma_semaphore, #tpu.memory_space<semaphore_mem>>
      %dma_start3A = arith.constant 0 : i32
      %dma_start3A_53 = arith.constant 0 : i32
      %dma_start3A_54 = tpu.memref_slice %arg2[%select_n3A, %run_scoped3A, %dma_start3A, %dma_start3A_53] : memref<16x1x224x224xf32, #tpu.memory_space<hbm>> -> memref<1x1x224x224xf32, #tpu.memory_space<hbm>>
      %dma_start3A_55 = tpu.memref_squeeze %dma_start3A_54 : memref<1x1x224x224xf32, #tpu.memory_space<hbm>> -> memref<224x224xf32, #tpu.memory_space<hbm>>
      %dma_start3A_56 = arith.constant 0 : i32
      %dma_start3A_57 = arith.constant 0 : i32
      %dma_start3A_58 = tpu.memref_slice %arg2[%select_n3A, %run_scoped3A, %dma_start3A_56, %dma_start3A_57] : memref<16x1x224x224xf32, #tpu.memory_space<hbm>> -> memref<1x1x224x224xf32, #tpu.memory_space<hbm>>
      %dma_start3A_59 = tpu.memref_squeeze %dma_start3A_58 : memref<1x1x224x224xf32, #tpu.memory_space<hbm>> -> memref<224x224xf32, #tpu.memory_space<hbm>>
      tpu.enqueue_dma source(%dma_start3A_59 : memref<224x224xf32, #tpu.memory_space<hbm>>) target(%arg6 : memref<224x224xf32, #tpu.memory_space<vmem>>) target_semaphore(%run_scoped3A_52 : memref<!tpu.dma_semaphore, #tpu.memory_space<semaphore_mem>>)
      %dma_wait3A = arith.constant 0 : i32
      %dma_wait3A_60 = arith.constant 0 : i32
      %dma_wait3A_61 = tpu.memref_slice %arg2[%select_n3A, %run_scoped3A, %dma_wait3A, %dma_wait3A_60] : memref<16x1x224x224xf32, #tpu.memory_space<hbm>> -> memref<1x1x224x224xf32, #tpu.memory_space<hbm>>
      %dma_wait3A_62 = tpu.memref_squeeze %dma_wait3A_61 : memref<1x1x224x224xf32, #tpu.memory_space<hbm>> -> memref<224x224xf32, #tpu.memory_space<hbm>>
      %dma_wait3A_63 = arith.constant 0 : i32
      %dma_wait3A_64 = arith.constant 0 : i32
      %dma_wait3A_65 = tpu.memref_slice %arg2[%select_n3A, %run_scoped3A, %dma_wait3A_63, %dma_wait3A_64] : memref<16x1x224x224xf32, #tpu.memory_space<hbm>> -> memref<1x1x224x224xf32, #tpu.memory_space<hbm>>
      %dma_wait3A_66 = tpu.memref_squeeze %dma_wait3A_65 : memref<1x1x224x224xf32, #tpu.memory_space<hbm>> -> memref<224x224xf32, #tpu.memory_space<hbm>>
      tpu.wait_dma2 semaphore(%run_scoped3A_52 : memref<!tpu.dma_semaphore, #tpu.memory_space<semaphore_mem>>) src(%dma_wait3A_66 : memref<224x224xf32, #tpu.memory_space<hbm>>) dst(%arg6 : memref<224x224xf32, #tpu.memory_space<vmem>>)
      tpu.yield
    }) : () -> ()
    %mul3A_33 = arith.constant 25088 : i32
    %mul3A_34 = arith.muli %select_n3A_30, %mul3A_33 : i32
    "tpu.region"() ({
      %run_scoped3A_52 = tpu.sem_alloc : memref<!tpu.dma_semaphore, #tpu.memory_space<semaphore_mem>>
      %dma_start3A = tpu.memref_slice %arg3[%mul3A_34] : memref<50176xi32, #tpu.memory_space<hbm>> -> memref<25088xi32, #tpu.memory_space<hbm>>
      %dma_start3A_53 = tpu.memref_slice %arg3[%mul3A_34] : memref<50176xi32, #tpu.memory_space<hbm>> -> memref<25088xi32, #tpu.memory_space<hbm>>
      tpu.enqueue_dma source(%dma_start3A_53 : memref<25088xi32, #tpu.memory_space<hbm>>) target(%arg7 : memref<25088xi32, #tpu.memory_space<vmem>>) target_semaphore(%run_scoped3A_52 : memref<!tpu.dma_semaphore, #tpu.memory_space<semaphore_mem>>)
      %dma_wait3A = tpu.memref_slice %arg3[%mul3A_34] : memref<50176xi32, #tpu.memory_space<hbm>> -> memref<25088xi32, #tpu.memory_space<hbm>>
      %dma_wait3A_54 = tpu.memref_slice %arg3[%mul3A_34] : memref<50176xi32, #tpu.memory_space<hbm>> -> memref<25088xi32, #tpu.memory_space<hbm>>
      tpu.wait_dma2 semaphore(%run_scoped3A_52 : memref<!tpu.dma_semaphore, #tpu.memory_space<semaphore_mem>>) src(%dma_wait3A_54 : memref<25088xi32, #tpu.memory_space<hbm>>) dst(%arg7 : memref<25088xi32, #tpu.memory_space<vmem>>)
      tpu.yield
    }) : () -> ()
    "tpu.region"() ({
      %run_scoped3A_52 = tpu.sem_alloc : memref<!tpu.dma_semaphore, #tpu.memory_space<semaphore_mem>>
      tpu.enqueue_dma source(%arg4 : memref<2x16xf32, #tpu.memory_space<hbm>>) target(%arg8 : memref<2x16xf32, #tpu.memory_space<vmem>>) target_semaphore(%run_scoped3A_52 : memref<!tpu.dma_semaphore, #tpu.memory_space<semaphore_mem>>)
      tpu.wait_dma2 semaphore(%run_scoped3A_52 : memref<!tpu.dma_semaphore, #tpu.memory_space<semaphore_mem>>) src(%arg4 : memref<2x16xf32, #tpu.memory_space<hbm>>) dst(%arg8 : memref<2x16xf32, #tpu.memory_space<vmem>>)
      tpu.yield
    }) : () -> ()
    %get3A = arith.constant 0 : i32
    %get3A_35 = arith.index_cast %get3A : i32 to index
    %get3A_36 = arith.constant 0 : index
    %get3A_37 = tpu.vector_load %arg8[%get3A_35, %get3A_36] {strides = array<i32>} : memref<2x16xf32, #tpu.memory_space<vmem>>, vector<16xf32>,
    %get3A_38 = arith.constant 1 : i32
    %get3A_39 = arith.index_cast %get3A_38 : i32 to index
    %get3A_40 = arith.constant 0 : index
    %get3A_41 = tpu.vector_load %arg8[%get3A_39, %get3A_40] {strides = array<i32>} : memref<2x16xf32, #tpu.memory_space<vmem>>, vector<16xf32>,
    %broadcast_in_dim3A = arith.constant 0.000000e+00 : f32
    %broadcast_in_dim3A_42 = vector.broadcast %broadcast_in_dim3A : f32 to vector<16xf32>
    %scan3A = arith.constant 0 : i32
    %scan3A_43 = arith.constant 112 : i32
    %scan3A_44 = arith.addi %scan3A, %scan3A_43 : i32
    %scan3A_45 = arith.constant 1 : i32
    %scan3A_46:4 = scf.for %scan3A_52 = %scan3A to %scan3A_44 step %scan3A_45 iter_args(%scan3A_53 = %broadcast_in_dim3A_42, %scan3A_54 = %broadcast_in_dim3A_42, %scan3A_55 = %broadcast_in_dim3A_42, %scan3A_56 = %broadcast_in_dim3A_42) -> (vector<16xf32>, vector<16xf32>, vector<16xf32>, vector<16xf32>)  : i32 {
      %mul3A_57 = arith.constant 224 : i32
      %mul3A_58 = arith.muli %scan3A_52, %mul3A_57 : i32
      %add3A_59 = arith.constant 0 : i32
      %add3A_60 = arith.addi %mul3A_58, %add3A_59 : i32
      %get3A_61 = arith.index_cast %add3A_60 : i32 to index
      %get3A_62 = tpu.vector_load %arg7[%get3A_61] {strides = array<i32>} : memref<25088xi32, #tpu.memory_space<vmem>>, vector<16xi32>,
      %shift_right_logical3A = arith.constant 16 : i32
      %shift_right_logical3A_63 = vector.broadcast %shift_right_logical3A : i32 to vector<16xi32>
      %shift_right_logical3A_64 = arith.shrui %get3A_62, %shift_right_logical3A_63 : vector<16xi32>
      %and3A_65 = arith.constant 65535 : i32
      %and3A_66 = vector.broadcast %and3A_65 : i32 to vector<16xi32>
      %and3A_67 = arith.andi %get3A_62, %and3A_66 : vector<16xi32>
      %gather3A = tpu.vector_load_idx %arg6[%shift_right_logical3A_64, %and3A_67] : memref<224x224xf32, #tpu.memory_space<vmem>>[vector<16xi32>, vector<16xi32>], vector<16xf32>,
      %add3A_68 = arith.addi %mul3A_32, %scan3A_52 : i32
      %get3A_69 = arith.index_cast %add3A_68 : i32 to index
      %get3A_70 = arith.constant 0 : index
      %get3A_71 = tpu.vector_load %arg6[%get3A_69, %get3A_70] {strides = array<i32>} : memref<224x224xf32, #tpu.memory_space<vmem>>, vector<16xf32>,
      %mul3A_72 = arith.mulf %gather3A, %get3A_37 : vector<16xf32>
      %add3A_73 = arith.addf %mul3A_72, %get3A_41 : vector<16xf32>
      %sub3A_74 = arith.subf %get3A_71, %add3A_73 : vector<16xf32>
      %mul3A_75 = arith.mulf %sub3A_74, %sub3A_74 : vector<16xf32>
      %add3A_76 = arith.addf %scan3A_53, %mul3A_75 : vector<16xf32>
      %add3A_77 = arith.constant 16 : i32
      %add3A_78 = arith.addi %mul3A_58, %add3A_77 : i32
      %get3A_79 = arith.index_cast %add3A_78 : i32 to index
      %get3A_80 = tpu.vector_load %arg7[%get3A_79] {strides = array<i32>} : memref<25088xi32, #tpu.memory_space<vmem>>, vector<16xi32>,
      %shift_right_logical3A_81 = arith.constant 16 : i32
      %shift_right_logical3A_82 = vector.broadcast %shift_right_logical3A_81 : i32 to vector<16xi32>
      %shift_right_logical3A_83 = arith.shrui %get3A_80, %shift_right_logical3A_82 : vector<16xi32>
      %and3A_84 = arith.constant 65535 : i32
      %and3A_85 = vector.broadcast %and3A_84 : i32 to vector<16xi32>
      %and3A_86 = arith.andi %get3A_80, %and3A_85 : vector<16xi32>
      %gather3A_87 = tpu.vector_load_idx %arg6[%shift_right_logical3A_83, %and3A_86] : memref<224x224xf32, #tpu.memory_space<vmem>>[vector<16xi32>, vector<16xi32>], vector<16xf32>,
      %add3A_88 = arith.addi %mul3A_32, %scan3A_52 : i32
      %get3A_89 = arith.index_cast %add3A_88 : i32 to index
      %get3A_90 = arith.constant 16 : index
      %get3A_91 = tpu.vector_load %arg6[%get3A_89, %get3A_90] {strides = array<i32>} : memref<224x224xf32, #tpu.memory_space<vmem>>, vector<16xf32>,
      %mul3A_92 = arith.mulf %gather3A_87, %get3A_37 : vector<16xf32>
      %add3A_93 = arith.addf %mul3A_92, %get3A_41 : vector<16xf32>
      %sub3A_94 = arith.subf %get3A_91, %add3A_93 : vector<16xf32>
      %mul3A_95 = arith.mulf %sub3A_94, %sub3A_94 : vector<16xf32>
      %add3A_96 = arith.addf %scan3A_54, %mul3A_95 : vector<16xf32>
      %add3A_97 = arith.constant 32 : i32
      %add3A_98 = arith.addi %mul3A_58, %add3A_97 : i32
      %get3A_99 = arith.index_cast %add3A_98 : i32 to index
      %get3A_100 = tpu.vector_load %arg7[%get3A_99] {strides = array<i32>} : memref<25088xi32, #tpu.memory_space<vmem>>, vector<16xi32>,
      %shift_right_logical3A_101 = arith.constant 16 : i32
      %shift_right_logical3A_102 = vector.broadcast %shift_right_logical3A_101 : i32 to vector<16xi32>
      %shift_right_logical3A_103 = arith.shrui %get3A_100, %shift_right_logical3A_102 : vector<16xi32>
      %and3A_104 = arith.constant 65535 : i32
      %and3A_105 = vector.broadcast %and3A_104 : i32 to vector<16xi32>
      %and3A_106 = arith.andi %get3A_100, %and3A_105 : vector<16xi32>
      %gather3A_107 = tpu.vector_load_idx %arg6[%shift_right_logical3A_103, %and3A_106] : memref<224x224xf32, #tpu.memory_space<vmem>>[vector<16xi32>, vector<16xi32>], vector<16xf32>,
      %add3A_108 = arith.addi %mul3A_32, %scan3A_52 : i32
      %get3A_109 = arith.index_cast %add3A_108 : i32 to index
      %get3A_110 = arith.constant 32 : index
      %get3A_111 = tpu.vector_load %arg6[%get3A_109, %get3A_110] {strides = array<i32>} : memref<224x224xf32, #tpu.memory_space<vmem>>, vector<16xf32>,
      %mul3A_112 = arith.mulf %gather3A_107, %get3A_37 : vector<16xf32>
      %add3A_113 = arith.addf %mul3A_112, %get3A_41 : vector<16xf32>
      %sub3A_114 = arith.subf %get3A_111, %add3A_113 : vector<16xf32>
      %mul3A_115 = arith.mulf %sub3A_114, %sub3A_114 : vector<16xf32>
      %add3A_116 = arith.addf %scan3A_55, %mul3A_115 : vector<16xf32>
      %add3A_117 = arith.constant 48 : i32
      %add3A_118 = arith.addi %mul3A_58, %add3A_117 : i32
      %get3A_119 = arith.index_cast %add3A_118 : i32 to index
      %get3A_120 = tpu.vector_load %arg7[%get3A_119] {strides = array<i32>} : memref<25088xi32, #tpu.memory_space<vmem>>, vector<16xi32>,
      %shift_right_logical3A_121 = arith.constant 16 : i32
      %shift_right_logical3A_122 = vector.broadcast %shift_right_logical3A_121 : i32 to vector<16xi32>
      %shift_right_logical3A_123 = arith.shrui %get3A_120, %shift_right_logical3A_122 : vector<16xi32>
      %and3A_124 = arith.constant 65535 : i32
      %and3A_125 = vector.broadcast %and3A_124 : i32 to vector<16xi32>
      %and3A_126 = arith.andi %get3A_120, %and3A_125 : vector<16xi32>
      %gather3A_127 = tpu.vector_load_idx %arg6[%shift_right_logical3A_123, %and3A_126] : memref<224x224xf32, #tpu.memory_space<vmem>>[vector<16xi32>, vector<16xi32>], vector<16xf32>,
      %add3A_128 = arith.addi %mul3A_32, %scan3A_52 : i32
      %get3A_129 = arith.index_cast %add3A_128 : i32 to index
      %get3A_130 = arith.constant 48 : index
      %get3A_131 = tpu.vector_load %arg6[%get3A_129, %get3A_130] {strides = array<i32>} : memref<224x224xf32, #tpu.memory_space<vmem>>, vector<16xf32>,
      %mul3A_132 = arith.mulf %gather3A_127, %get3A_37 : vector<16xf32>
      %add3A_133 = arith.addf %mul3A_132, %get3A_41 : vector<16xf32>
      %sub3A_134 = arith.subf %get3A_131, %add3A_133 : vector<16xf32>
      %mul3A_135 = arith.mulf %sub3A_134, %sub3A_134 : vector<16xf32>
      %add3A_136 = arith.addf %scan3A_56, %mul3A_135 : vector<16xf32>
      %add3A_137 = arith.constant 64 : i32
      %add3A_138 = arith.addi %mul3A_58, %add3A_137 : i32
      %get3A_139 = arith.index_cast %add3A_138 : i32 to index
      %get3A_140 = tpu.vector_load %arg7[%get3A_139] {strides = array<i32>} : memref<25088xi32, #tpu.memory_space<vmem>>, vector<16xi32>,
      %shift_right_logical3A_141 = arith.constant 16 : i32
      %shift_right_logical3A_142 = vector.broadcast %shift_right_logical3A_141 : i32 to vector<16xi32>
      %shift_right_logical3A_143 = arith.shrui %get3A_140, %shift_right_logical3A_142 : vector<16xi32>
      %and3A_144 = arith.constant 65535 : i32
      %and3A_145 = vector.broadcast %and3A_144 : i32 to vector<16xi32>
      %and3A_146 = arith.andi %get3A_140, %and3A_145 : vector<16xi32>
      %gather3A_147 = tpu.vector_load_idx %arg6[%shift_right_logical3A_143, %and3A_146] : memref<224x224xf32, #tpu.memory_space<vmem>>[vector<16xi32>, vector<16xi32>], vector<16xf32>,
      %add3A_148 = arith.addi %mul3A_32, %scan3A_52 : i32
      %get3A_149 = arith.index_cast %add3A_148 : i32 to index
      %get3A_150 = arith.constant 64 : index
      %get3A_151 = tpu.vector_load %arg6[%get3A_149, %get3A_150] {strides = array<i32>} : memref<224x224xf32, #tpu.memory_space<vmem>>, vector<16xf32>,
      %mul3A_152 = arith.mulf %gather3A_147, %get3A_37 : vector<16xf32>
      %add3A_153 = arith.addf %mul3A_152, %get3A_41 : vector<16xf32>
      %sub3A_154 = arith.subf %get3A_151, %add3A_153 : vector<16xf32>
      %mul3A_155 = arith.mulf %sub3A_154, %sub3A_154 : vector<16xf32>
      %add3A_156 = arith.addf %add3A_76, %mul3A_155 : vector<16xf32>
      %add3A_157 = arith.constant 80 : i32
      %add3A_158 = arith.addi %mul3A_58, %add3A_157 : i32
      %get3A_159 = arith.index_cast %add3A_158 : i32 to index
      %get3A_160 = tpu.vector_load %arg7[%get3A_159] {strides = array<i32>} : memref<25088xi32, #tpu.memory_space<vmem>>, vector<16xi32>,
      %shift_right_logical3A_161 = arith.constant 16 : i32
      %shift_right_logical3A_162 = vector.broadcast %shift_right_logical3A_161 : i32 to vector<16xi32>
      %shift_right_logical3A_163 = arith.shrui %get3A_160, %shift_right_logical3A_162 : vector<16xi32>
      %and3A_164 = arith.constant 65535 : i32
      %and3A_165 = vector.broadcast %and3A_164 : i32 to vector<16xi32>
      %and3A_166 = arith.andi %get3A_160, %and3A_165 : vector<16xi32>
      %gather3A_167 = tpu.vector_load_idx %arg6[%shift_right_logical3A_163, %and3A_166] : memref<224x224xf32, #tpu.memory_space<vmem>>[vector<16xi32>, vector<16xi32>], vector<16xf32>,
      %add3A_168 = arith.addi %mul3A_32, %scan3A_52 : i32
      %get3A_169 = arith.index_cast %add3A_168 : i32 to index
      %get3A_170 = arith.constant 80 : index
      %get3A_171 = tpu.vector_load %arg6[%get3A_169, %get3A_170] {strides = array<i32>} : memref<224x224xf32, #tpu.memory_space<vmem>>, vector<16xf32>,
      %mul3A_172 = arith.mulf %gather3A_167, %get3A_37 : vector<16xf32>
      %add3A_173 = arith.addf %mul3A_172, %get3A_41 : vector<16xf32>
      %sub3A_174 = arith.subf %get3A_171, %add3A_173 : vector<16xf32>
      %mul3A_175 = arith.mulf %sub3A_174, %sub3A_174 : vector<16xf32>
      %add3A_176 = arith.addf %add3A_96, %mul3A_175 : vector<16xf32>
      %add3A_177 = arith.constant 96 : i32
      %add3A_178 = arith.addi %mul3A_58, %add3A_177 : i32
      %get3A_179 = arith.index_cast %add3A_178 : i32 to index
      %get3A_180 = tpu.vector_load %arg7[%get3A_179] {strides = array<i32>} : memref<25088xi32, #tpu.memory_space<vmem>>, vector<16xi32>,
      %shift_right_logical3A_181 = arith.constant 16 : i32
      %shift_right_logical3A_182 = vector.broadcast %shift_right_logical3A_181 : i32 to vector<16xi32>
      %shift_right_logical3A_183 = arith.shrui %get3A_180, %shift_right_logical3A_182 : vector<16xi32>
      %and3A_184 = arith.constant 65535 : i32
      %and3A_185 = vector.broadcast %and3A_184 : i32 to vector<16xi32>
      %and3A_186 = arith.andi %get3A_180, %and3A_185 : vector<16xi32>
      %gather3A_187 = tpu.vector_load_idx %arg6[%shift_right_logical3A_183, %and3A_186] : memref<224x224xf32, #tpu.memory_space<vmem>>[vector<16xi32>, vector<16xi32>], vector<16xf32>,
      %add3A_188 = arith.addi %mul3A_32, %scan3A_52 : i32
      %get3A_189 = arith.index_cast %add3A_188 : i32 to index
      %get3A_190 = arith.constant 96 : index
      %get3A_191 = tpu.vector_load %arg6[%get3A_189, %get3A_190] {strides = array<i32>} : memref<224x224xf32, #tpu.memory_space<vmem>>, vector<16xf32>,
      %mul3A_192 = arith.mulf %gather3A_187, %get3A_37 : vector<16xf32>
      %add3A_193 = arith.addf %mul3A_192, %get3A_41 : vector<16xf32>
      %sub3A_194 = arith.subf %get3A_191, %add3A_193 : vector<16xf32>
      %mul3A_195 = arith.mulf %sub3A_194, %sub3A_194 : vector<16xf32>
      %add3A_196 = arith.addf %add3A_116, %mul3A_195 : vector<16xf32>
      %add3A_197 = arith.constant 112 : i32
      %add3A_198 = arith.addi %mul3A_58, %add3A_197 : i32
      %get3A_199 = arith.index_cast %add3A_198 : i32 to index
      %get3A_200 = tpu.vector_load %arg7[%get3A_199] {strides = array<i32>} : memref<25088xi32, #tpu.memory_space<vmem>>, vector<16xi32>,
      %shift_right_logical3A_201 = arith.constant 16 : i32
      %shift_right_logical3A_202 = vector.broadcast %shift_right_logical3A_201 : i32 to vector<16xi32>
      %shift_right_logical3A_203 = arith.shrui %get3A_200, %shift_right_logical3A_202 : vector<16xi32>
      %and3A_204 = arith.constant 65535 : i32
      %and3A_205 = vector.broadcast %and3A_204 : i32 to vector<16xi32>
      %and3A_206 = arith.andi %get3A_200, %and3A_205 : vector<16xi32>
      %gather3A_207 = tpu.vector_load_idx %arg6[%shift_right_logical3A_203, %and3A_206] : memref<224x224xf32, #tpu.memory_space<vmem>>[vector<16xi32>, vector<16xi32>], vector<16xf32>,
      %add3A_208 = arith.addi %mul3A_32, %scan3A_52 : i32
      %get3A_209 = arith.index_cast %add3A_208 : i32 to index
      %get3A_210 = arith.constant 112 : index
      %get3A_211 = tpu.vector_load %arg6[%get3A_209, %get3A_210] {strides = array<i32>} : memref<224x224xf32, #tpu.memory_space<vmem>>, vector<16xf32>,
      %mul3A_212 = arith.mulf %gather3A_207, %get3A_37 : vector<16xf32>
      %add3A_213 = arith.addf %mul3A_212, %get3A_41 : vector<16xf32>
      %sub3A_214 = arith.subf %get3A_211, %add3A_213 : vector<16xf32>
      %mul3A_215 = arith.mulf %sub3A_214, %sub3A_214 : vector<16xf32>
      %add3A_216 = arith.addf %add3A_136, %mul3A_215 : vector<16xf32>
      %add3A_217 = arith.constant 128 : i32
      %add3A_218 = arith.addi %mul3A_58, %add3A_217 : i32
      %get3A_219 = arith.index_cast %add3A_218 : i32 to index
      %get3A_220 = tpu.vector_load %arg7[%get3A_219] {strides = array<i32>} : memref<25088xi32, #tpu.memory_space<vmem>>, vector<16xi32>,
      %shift_right_logical3A_221 = arith.constant 16 : i32
      %shift_right_logical3A_222 = vector.broadcast %shift_right_logical3A_221 : i32 to vector<16xi32>
      %shift_right_logical3A_223 = arith.shrui %get3A_220, %shift_right_logical3A_222 : vector<16xi32>
      %and3A_224 = arith.constant 65535 : i32
      %and3A_225 = vector.broadcast %and3A_224 : i32 to vector<16xi32>
      %and3A_226 = arith.andi %get3A_220, %and3A_225 : vector<16xi32>
      %gather3A_227 = tpu.vector_load_idx %arg6[%shift_right_logical3A_223, %and3A_226] : memref<224x224xf32, #tpu.memory_space<vmem>>[vector<16xi32>, vector<16xi32>], vector<16xf32>,
      %add3A_228 = arith.addi %mul3A_32, %scan3A_52 : i32
      %get3A_229 = arith.index_cast %add3A_228 : i32 to index
      %get3A_230 = arith.constant 128 : index
      %get3A_231 = tpu.vector_load %arg6[%get3A_229, %get3A_230] {strides = array<i32>} : memref<224x224xf32, #tpu.memory_space<vmem>>, vector<16xf32>,
      %mul3A_232 = arith.mulf %gather3A_227, %get3A_37 : vector<16xf32>
      %add3A_233 = arith.addf %mul3A_232, %get3A_41 : vector<16xf32>
      %sub3A_234 = arith.subf %get3A_231, %add3A_233 : vector<16xf32>
      %mul3A_235 = arith.mulf %sub3A_234, %sub3A_234 : vector<16xf32>
      %add3A_236 = arith.addf %add3A_156, %mul3A_235 : vector<16xf32>
      %add3A_237 = arith.constant 144 : i32
      %add3A_238 = arith.addi %mul3A_58, %add3A_237 : i32
      %get3A_239 = arith.index_cast %add3A_238 : i32 to index
      %get3A_240 = tpu.vector_load %arg7[%get3A_239] {strides = array<i32>} : memref<25088xi32, #tpu.memory_space<vmem>>, vector<16xi32>,
      %shift_right_logical3A_241 = arith.constant 16 : i32
      %shift_right_logical3A_242 = vector.broadcast %shift_right_logical3A_241 : i32 to vector<16xi32>
      %shift_right_logical3A_243 = arith.shrui %get3A_240, %shift_right_logical3A_242 : vector<16xi32>
      %and3A_244 = arith.constant 65535 : i32
      %and3A_245 = vector.broadcast %and3A_244 : i32 to vector<16xi32>
      %and3A_246 = arith.andi %get3A_240, %and3A_245 : vector<16xi32>
      %gather3A_247 = tpu.vector_load_idx %arg6[%shift_right_logical3A_243, %and3A_246] : memref<224x224xf32, #tpu.memory_space<vmem>>[vector<16xi32>, vector<16xi32>], vector<16xf32>,
      %add3A_248 = arith.addi %mul3A_32, %scan3A_52 : i32
      %get3A_249 = arith.index_cast %add3A_248 : i32 to index
      %get3A_250 = arith.constant 144 : index
      %get3A_251 = tpu.vector_load %arg6[%get3A_249, %get3A_250] {strides = array<i32>} : memref<224x224xf32, #tpu.memory_space<vmem>>, vector<16xf32>,
      %mul3A_252 = arith.mulf %gather3A_247, %get3A_37 : vector<16xf32>
      %add3A_253 = arith.addf %mul3A_252, %get3A_41 : vector<16xf32>
      %sub3A_254 = arith.subf %get3A_251, %add3A_253 : vector<16xf32>
      %mul3A_255 = arith.mulf %sub3A_254, %sub3A_254 : vector<16xf32>
      %add3A_256 = arith.addf %add3A_176, %mul3A_255 : vector<16xf32>
      %add3A_257 = arith.constant 160 : i32
      %add3A_258 = arith.addi %mul3A_58, %add3A_257 : i32
      %get3A_259 = arith.index_cast %add3A_258 : i32 to index
      %get3A_260 = tpu.vector_load %arg7[%get3A_259] {strides = array<i32>} : memref<25088xi32, #tpu.memory_space<vmem>>, vector<16xi32>,
      %shift_right_logical3A_261 = arith.constant 16 : i32
      %shift_right_logical3A_262 = vector.broadcast %shift_right_logical3A_261 : i32 to vector<16xi32>
      %shift_right_logical3A_263 = arith.shrui %get3A_260, %shift_right_logical3A_262 : vector<16xi32>
      %and3A_264 = arith.constant 65535 : i32
      %and3A_265 = vector.broadcast %and3A_264 : i32 to vector<16xi32>
      %and3A_266 = arith.andi %get3A_260, %and3A_265 : vector<16xi32>
      %gather3A_267 = tpu.vector_load_idx %arg6[%shift_right_logical3A_263, %and3A_266] : memref<224x224xf32, #tpu.memory_space<vmem>>[vector<16xi32>, vector<16xi32>], vector<16xf32>,
      %add3A_268 = arith.addi %mul3A_32, %scan3A_52 : i32
      %get3A_269 = arith.index_cast %add3A_268 : i32 to index
      %get3A_270 = arith.constant 160 : index
      %get3A_271 = tpu.vector_load %arg6[%get3A_269, %get3A_270] {strides = array<i32>} : memref<224x224xf32, #tpu.memory_space<vmem>>, vector<16xf32>,
      %mul3A_272 = arith.mulf %gather3A_267, %get3A_37 : vector<16xf32>
      %add3A_273 = arith.addf %mul3A_272, %get3A_41 : vector<16xf32>
      %sub3A_274 = arith.subf %get3A_271, %add3A_273 : vector<16xf32>
      %mul3A_275 = arith.mulf %sub3A_274, %sub3A_274 : vector<16xf32>
      %add3A_276 = arith.addf %add3A_196, %mul3A_275 : vector<16xf32>
      %add3A_277 = arith.constant 176 : i32
      %add3A_278 = arith.addi %mul3A_58, %add3A_277 : i32
      %get3A_279 = arith.index_cast %add3A_278 : i32 to index
      %get3A_280 = tpu.vector_load %arg7[%get3A_279] {strides = array<i32>} : memref<25088xi32, #tpu.memory_space<vmem>>, vector<16xi32>,
      %shift_right_logical3A_281 = arith.constant 16 : i32
      %shift_right_logical3A_282 = vector.broadcast %shift_right_logical3A_281 : i32 to vector<16xi32>
      %shift_right_logical3A_283 = arith.shrui %get3A_280, %shift_right_logical3A_282 : vector<16xi32>
      %and3A_284 = arith.constant 65535 : i32
      %and3A_285 = vector.broadcast %and3A_284 : i32 to vector<16xi32>
      %and3A_286 = arith.andi %get3A_280, %and3A_285 : vector<16xi32>
      %gather3A_287 = tpu.vector_load_idx %arg6[%shift_right_logical3A_283, %and3A_286] : memref<224x224xf32, #tpu.memory_space<vmem>>[vector<16xi32>, vector<16xi32>], vector<16xf32>,
      %add3A_288 = arith.addi %mul3A_32, %scan3A_52 : i32
      %get3A_289 = arith.index_cast %add3A_288 : i32 to index
      %get3A_290 = arith.constant 176 : index
      %get3A_291 = tpu.vector_load %arg6[%get3A_289, %get3A_290] {strides = array<i32>} : memref<224x224xf32, #tpu.memory_space<vmem>>, vector<16xf32>,
      %mul3A_292 = arith.mulf %gather3A_287, %get3A_37 : vector<16xf32>
      %add3A_293 = arith.addf %mul3A_292, %get3A_41 : vector<16xf32>
      %sub3A_294 = arith.subf %get3A_291, %add3A_293 : vector<16xf32>
      %mul3A_295 = arith.mulf %sub3A_294, %sub3A_294 : vector<16xf32>
      %add3A_296 = arith.addf %add3A_216, %mul3A_295 : vector<16xf32>
      %add3A_297 = arith.constant 192 : i32
      %add3A_298 = arith.addi %mul3A_58, %add3A_297 : i32
      %get3A_299 = arith.index_cast %add3A_298 : i32 to index
      %get3A_300 = tpu.vector_load %arg7[%get3A_299] {strides = array<i32>} : memref<25088xi32, #tpu.memory_space<vmem>>, vector<16xi32>,
      %shift_right_logical3A_301 = arith.constant 16 : i32
      %shift_right_logical3A_302 = vector.broadcast %shift_right_logical3A_301 : i32 to vector<16xi32>
      %shift_right_logical3A_303 = arith.shrui %get3A_300, %shift_right_logical3A_302 : vector<16xi32>
      %and3A_304 = arith.constant 65535 : i32
      %and3A_305 = vector.broadcast %and3A_304 : i32 to vector<16xi32>
      %and3A_306 = arith.andi %get3A_300, %and3A_305 : vector<16xi32>
      %gather3A_307 = tpu.vector_load_idx %arg6[%shift_right_logical3A_303, %and3A_306] : memref<224x224xf32, #tpu.memory_space<vmem>>[vector<16xi32>, vector<16xi32>], vector<16xf32>,
      %add3A_308 = arith.addi %mul3A_32, %scan3A_52 : i32
      %get3A_309 = arith.index_cast %add3A_308 : i32 to index
      %get3A_310 = arith.constant 192 : index
      %get3A_311 = tpu.vector_load %arg6[%get3A_309, %get3A_310] {strides = array<i32>} : memref<224x224xf32, #tpu.memory_space<vmem>>, vector<16xf32>,
      %mul3A_312 = arith.mulf %gather3A_307, %get3A_37 : vector<16xf32>
      %add3A_313 = arith.addf %mul3A_312, %get3A_41 : vector<16xf32>
      %sub3A_314 = arith.subf %get3A_311, %add3A_313 : vector<16xf32>
      %mul3A_315 = arith.mulf %sub3A_314, %sub3A_314 : vector<16xf32>
      %add3A_316 = arith.addf %add3A_236, %mul3A_315 : vector<16xf32>
      %add3A_317 = arith.constant 208 : i32
      %add3A_318 = arith.addi %mul3A_58, %add3A_317 : i32
      %get3A_319 = arith.index_cast %add3A_318 : i32 to index
      %get3A_320 = tpu.vector_load %arg7[%get3A_319] {strides = array<i32>} : memref<25088xi32, #tpu.memory_space<vmem>>, vector<16xi32>,
      %shift_right_logical3A_321 = arith.constant 16 : i32
      %shift_right_logical3A_322 = vector.broadcast %shift_right_logical3A_321 : i32 to vector<16xi32>
      %shift_right_logical3A_323 = arith.shrui %get3A_320, %shift_right_logical3A_322 : vector<16xi32>
      %and3A_324 = arith.constant 65535 : i32
      %and3A_325 = vector.broadcast %and3A_324 : i32 to vector<16xi32>
      %and3A_326 = arith.andi %get3A_320, %and3A_325 : vector<16xi32>
      %gather3A_327 = tpu.vector_load_idx %arg6[%shift_right_logical3A_323, %and3A_326] : memref<224x224xf32, #tpu.memory_space<vmem>>[vector<16xi32>, vector<16xi32>], vector<16xf32>,
      %add3A_328 = arith.addi %mul3A_32, %scan3A_52 : i32
      %get3A_329 = arith.index_cast %add3A_328 : i32 to index
      %get3A_330 = arith.constant 208 : index
      %get3A_331 = tpu.vector_load %arg6[%get3A_329, %get3A_330] {strides = array<i32>} : memref<224x224xf32, #tpu.memory_space<vmem>>, vector<16xf32>,
      %mul3A_332 = arith.mulf %gather3A_327, %get3A_37 : vector<16xf32>
      %add3A_333 = arith.addf %mul3A_332, %get3A_41 : vector<16xf32>
      %sub3A_334 = arith.subf %get3A_331, %add3A_333 : vector<16xf32>
      %mul3A_335 = arith.mulf %sub3A_334, %sub3A_334 : vector<16xf32>
      %add3A_336 = arith.addf %add3A_256, %mul3A_335 : vector<16xf32>
      scf.yield %add3A_316, %add3A_336, %add3A_276, %add3A_296 : vector<16xf32>, vector<16xf32>, vector<16xf32>, vector<16xf32>
    }
    %scan3A_47 = arith.constant 112 : i32
    %add3A_48 = arith.addf %scan3A_46#0, %scan3A_46#1 : vector<16xf32>
    %add3A_49 = arith.addf %scan3A_46#2, %scan3A_46#3 : vector<16xf32>
    %add3A_50 = arith.addf %add3A_48, %add3A_49 : vector<16xf32>
    %swap3A = arith.constant 0 : index
    %swap3A_51 = tpu.vector_load %arg9[%swap3A] {strides = array<i32>} : memref<16xf32, #tpu.memory_space<vmem>>, vector<16xf32>,
    tpu.vector_store %arg9[%swap3A], %add3A_50 {strides = array<i32>} : memref<16xf32, #tpu.memory_space<vmem>>, vector<16xf32>,
    "tpu.region"() ({
      %run_scoped3A_52 = tpu.sem_alloc : memref<!tpu.dma_semaphore, #tpu.memory_space<semaphore_mem>>
      %dma_start3A = arith.constant 0 : i32
      %dma_start3A_53 = tpu.memref_slice %arg5[%add3A, %dma_start3A] : memref<32x16xf32, #tpu.memory_space<hbm>> -> memref<1x16xf32, #tpu.memory_space<hbm>>
      %dma_start3A_54 = tpu.memref_squeeze %dma_start3A_53 : memref<1x16xf32, #tpu.memory_space<hbm>> -> memref<16xf32, #tpu.memory_space<hbm>>
      %dma_start3A_55 = arith.constant 0 : i32
      %dma_start3A_56 = tpu.memref_slice %arg5[%add3A, %dma_start3A_55] : memref<32x16xf32, #tpu.memory_space<hbm>> -> memref<1x16xf32, #tpu.memory_space<hbm>>
      %dma_start3A_57 = tpu.memref_squeeze %dma_start3A_56 : memref<1x16xf32, #tpu.memory_space<hbm>> -> memref<16xf32, #tpu.memory_space<hbm>>
      tpu.enqueue_dma source(%arg9 : memref<16xf32, #tpu.memory_space<vmem>>) target(%dma_start3A_57 : memref<16xf32, #tpu.memory_space<hbm>>) target_semaphore(%run_scoped3A_52 : memref<!tpu.dma_semaphore, #tpu.memory_space<semaphore_mem>>)
      %dma_wait3A = arith.constant 0 : i32
      %dma_wait3A_58 = tpu.memref_slice %arg5[%add3A, %dma_wait3A] : memref<32x16xf32, #tpu.memory_space<hbm>> -> memref<1x16xf32, #tpu.memory_space<hbm>>
      %dma_wait3A_59 = tpu.memref_squeeze %dma_wait3A_58 : memref<1x16xf32, #tpu.memory_space<hbm>> -> memref<16xf32, #tpu.memory_space<hbm>>
      %dma_wait3A_60 = arith.constant 0 : i32
      %dma_wait3A_61 = tpu.memref_slice %arg5[%add3A, %dma_wait3A_60] : memref<32x16xf32, #tpu.memory_space<hbm>> -> memref<1x16xf32, #tpu.memory_space<hbm>>
      %dma_wait3A_62 = tpu.memref_squeeze %dma_wait3A_61 : memref<1x16xf32, #tpu.memory_space<hbm>> -> memref<16xf32, #tpu.memory_space<hbm>>
      tpu.wait_dma2 semaphore(%run_scoped3A_52 : memref<!tpu.dma_semaphore, #tpu.memory_space<semaphore_mem>>) src(%arg9 : memref<16xf32, #tpu.memory_space<vmem>>) dst(%dma_wait3A_62 : memref<16xf32, #tpu.memory_space<hbm>>)
      tpu.yield
    }) : () -> ()
    return
  }
}

</mosaic_0001>

<sc_bundles>
// kernel: _sc_mse.3.cloned.1.call-start
scs
__scs_entry_jumppad:
0x0: {  	(pc) =	sbr.rel $0x88, $3  }
0x1: {  	(tag) =	ssettag $0x0;
	lr =	simm.s32 $0x1  }
0x2: {  	[smem:$0x3F9E] =	sst lr;
	_ =	strace $0xD0000000  }
0x3: {  	_ = 	snop  }
0x4: {  	_ = 	snop  }
0x5: {  	_ = 	snop  }
0x6: {  	_ = 	snop  }
0x7: {  	_ = 	snop  }
__scs_overlays_trampoline_lowered:
0x8: {  	[smem:$0x3FAD] =	sst s0  }
0x9: {  	[smem:$0x3FAE] =	sst s1  }
0xa: {  	[smem:$0x3FAF] =	sst s2  }
0xb: {  	[smem:$0x3FB0] =	sst s3  }
0xc: {  	[smem:$0x3FB1] =	sst s4  }
0xd: {  	[smem:$0x3FB2] =	sst s5  }
0xe: {  	[smem:$0x3FB3] =	sst s6  }
0xf: {  	[smem:$0x3FB4] =	sst s7  }
0x10: {  	[smem:$0x3FB5] =	sst s8  }
0x11: {  	[smem:$0x3FB6] =	sst s9;
	s0 =	simm.s32 @!p0 $0x0  }
0x12: {  	s1 =	sld [smem:$0x3F9C];
	s0 =	simm.s32 @p0 $0x1  }
0x13: {  	[smem:$0x3FB7] =	sst s0;
	s0 =	simm.s32 @!p1 $0x0  }
0x14: {  	s2 =	sld [smem:$0x3F9B];
	s0 =	simm.s32 @p1 $0x1  }
0x15: {  	[smem:$0x3FB8] =	sst s0;
	s0 =	simm.s32 @!p2 $0x0  }
0x16: {  	s3 =	sld [smem:$0x3FDB];
	s0 =	simm.s32 @p2 $0x1  }
0x17: {  	s4 =	simm.s32 $0x1BF5;
	[smem:$0x3FBA] =	sst s0  }
0x18: {  	s0 =	sld [smem:$0x3F9D];
	_ =	swait.ge [sflag:s4], $0x0  }
0x19: {  	s7 =	sld [smem:$0x3F9E]  }
0x1a: {  	s8 =	sadd.s32 $0xFFFFE003, lr  }
0x1b: {  	s9 =	sadd.s32 $0xFFFFFEF7, lr;
	s5 =	simm.s32 $0xFFFFFFFF;
	p2 =	slt.u32 s8, $0xFFFFF086  }
0x1c: {  	p1 =	slt.u32 s9, $0xF7A;
	s5 =	simm.s32 @!p2 $0x0  }
0x1d: {  	s5 =	simm.s32 @p1 $0x1;
	p0 =	seq.s32 s7, s2  }
0x1e: {  	s7 =	smul.u32 @!p0 $0xF7A, s2;
	p2 =	seq.s32 @!p0 s5, $0x0  }
0x1f: {  	s9 =	smul.u32 $0xF7A, s1;
	s8 =	simm.s32 @!p0 $0x1BF5;
	p2 =	por !p2, p0  }
0x20: {  	[sflag:s8] =	ssyncset.s32 @!p0 $0xFFFFF086;
	s6 =	sadd.s32 @!p0 s3, s7;
	s7 =	simm.s32 @!p0 $0x108  }
0x21: {  	s3 =	sadd.s32 s3, s9;
	s6 =	sadd.s32 @!p0 $0x88, s6;
	s7 =	simm.s32 @p2 $0x1082  }
0x22: {  	[simem:s7], [sflag:s8] =	dma.local @!p0 [hbm:s6], $0xF7A  }
0x23: {  	s9 =	sor.u32 $0xD0000000, s2;
	s6 =	simm.s32 $0x108;
	_ =	swait.ge @!p0 [sflag:s8], $0x0  }
0x24: {  	s3 =	sadd.s32 $0x88, s3;
	s6 =	simm.s32 @!p1 $0x1082;
	[sflag:s4] =	ssyncset.s32 $0xFFFFF086  }
0x25: {  	[simem:s6], [sflag:s4] =	dma.local [hbm:s3], $0xF7A  }
0x26: {  	[smem:$0x3F9E] =	sst s1;
	(tag) =	ssettag s2;
	_ =	strace s9  }
0x27: {  	s1 =	sld [smem:$0x3FAE]  }
0x28: {  	s2 =	sld [smem:$0x3FAF]  }
0x29: {  	s4 =	sld [smem:$0x3FB1]  }
0x2a: {  	p0 =	seq.s32 s5, $0x0;
	s5 =	sld [smem:$0x3FB2]  }
0x2b: {  	s6 =	sld [smem:$0x3FB3]  }
0x2c: {  	s7 =	sld [smem:$0x3FB4]  }
0x2d: {  	s3 =	simm.s32 $0x108;
	s8 =	sld [smem:$0x3FB5]  }
0x2e: {  	s3 =	simm.s32 @!p0 $0x1082;
	s9 =	sld [smem:$0x3FB6]  }
0x2f: {  	lr =	sadd.s32 s0, s3;
	s0 =	sld [smem:$0x3FAD]  }
0x30: {  	s3 =	sld [smem:$0x3FB0]  }
0x31: {  	[smem:$0x3FB9] =	sst s10  }
0x32: {  	s10 =	sld [smem:$0x3FB7];
	_ =	sdelay $0x3  }
0x33: {  	p0 =	seq.s32 s10, $0x1;
	s10 =	sld [smem:$0x3FB9];
	_ =	sdelay $0x3  }
0x34: {  	[smem:$0x3FB9] =	sst s10  }
0x35: {  	s10 =	sld [smem:$0x3FB8];
	_ =	sdelay $0x3  }
0x36: {  	p1 =	seq.s32 s10, $0x1;
	s10 =	sld [smem:$0x3FB9];
	_ =	sdelay $0x3  }
0x37: {  	[smem:$0x3FB9] =	sst s10  }
0x38: {  	s10 =	sld [smem:$0x3FBA]  }
0x39: {  	_ = 	snop;
	(pc) =	sbr.ind lr, $3  }
0x3a: {  	_ = 	snop  }
0x3b: {  	_ = 	snop  }
0x3c: {  	p2 =	seq.s32 s10, $0x1;
	s10 =	sld [smem:$0x3FB9]  }
0x3d: {  	_ =	shalt  }
0x3e: {  	_ =	shalt  }
0x3f: {  	_ =	shalt  }
0x40: {  	_ =	shalt  }
0x41: {  	_ =	shalt  }
0x42: {  	_ =	shalt  }
0x43: {  	_ =	shalt  }
0x44: {  	_ =	shalt  }
0x45: {  	_ =	shalt  }
0x46: {  	_ =	shalt  }
0x47: {  	_ =	shalt  }
0x48: {  	_ =	shalt  }
0x49: {  	_ =	shalt  }
0x4a: {  	_ =	shalt  }
0x4b: {  	_ =	shalt  }
0x4c: {  	_ =	shalt  }
0x4d: {  	_ =	shalt  }
0x4e: {  	_ =	shalt  }
0x4f: {  	_ =	shalt  }
0x50: {  	_ =	shalt  }
0x51: {  	_ =	shalt  }
0x52: {  	_ =	shalt  }
0x53: {  	_ =	shalt  }
0x54: {  	_ =	shalt  }
0x55: {  	_ =	shalt  }
0x56: {  	_ =	shalt  }
0x57: {  	_ =	shalt  }
0x58: {  	_ =	shalt  }
0x59: {  	_ =	shalt  }
0x5a: {  	_ =	shalt  }
0x5b: {  	_ =	shalt  }
0x5c: {  	_ =	shalt  }
0x5d: {  	_ =	shalt  }
0x5e: {  	_ =	shalt  }
0x5f: {  	_ =	shalt  }
0x60: {  	_ =	shalt  }
0x61: {  	_ =	shalt  }
0x62: {  	_ =	shalt  }
0x63: {  	_ =	shalt  }
0x64: {  	_ =	shalt  }
0x65: {  	_ =	shalt  }
0x66: {  	_ =	shalt  }
0x67: {  	_ =	shalt  }
0x68: {  	_ =	shalt  }
0x69: {  	_ =	shalt  }
0x6a: {  	_ =	shalt  }
0x6b: {  	_ =	shalt  }
0x6c: {  	_ =	shalt  }
0x6d: {  	_ =	shalt  }
0x6e: {  	_ =	shalt  }
0x6f: {  	_ =	shalt  }
0x70: {  	_ =	shalt  }
0x71: {  	_ =	shalt  }
0x72: {  	_ =	shalt  }
0x73: {  	_ =	shalt  }
0x74: {  	_ =	shalt  }
0x75: {  	_ =	shalt  }
0x76: {  	_ =	shalt  }
0x77: {  	_ =	shalt  }
0x78: {  	_ =	shalt  }
0x79: {  	_ =	shalt  }
0x7a: {  	_ =	shalt  }
0x7b: {  	_ =	shalt  }
0x7c: {  	_ =	shalt  }
0x7d: {  	_ =	shalt  }
0x7e: {  	_ =	shalt  }
0x7f: {  	_ =	shalt  }
0x80: {  	_ =	shalt  }
0x81: {  	_ =	shalt  }
0x82: {  	_ =	shalt  }
0x83: {  	_ =	shalt  }
0x84: {  	_ =	shalt  }
0x85: {  	_ =	shalt  }
0x86: {  	_ =	shalt  }
0x87: {  	_ =	shalt  }
.Lfunc_end0:
.L_simem_size_0:
called_computation_lowered:
.L_overlay_start_0:
0x88: {  	s2 =	sld [smem:$0x3FD9]  }
0x89: {  	s3 =	sld [smem:$0x3FFE];
	_ =	sdelay $0x1  }
0x8a: {  	s1 =	srdreg.scid  }
0x8b: {  	s0 =	sand.u32 $0x1, s1  }
0x8c: {  	s17 =	sshll.u32 s0, $0xA;
	s2 =	sadd.s32 s3, s2  }
0x8d: {  	s2 =	sadd.s32 s2, s17  }
0x8e: {  	[smem:$0x3FC5] =	sst s2  }
0x8f: {  	_ = 	snop  }
0x90: {  	s2 =	sld [smem:$0x3FC9]  }
0x91: {  	s18 =	sld [smem:$0x3FC8]  }
0x92: {  	s4 =	sld [smem:$0x3FC7];
	(tm) =	ssettm $0x1  }
0x93: {  	s5 =	sld [smem:$0x3FFB];
	_ =	sdelay $0x3  }
0x94: {  	_ =	strace s5  }
0x95: {  	s5 =	sld [smem:$0x3FFC];
	_ =	sdelay $0x3  }
0x96: {  	_ =	strace s5  }
0x97: {  	s5 =	sld [smem:$0x3FFD];
	_ =	sdelay $0x3  }
0x98: {  	_ =	strace s5  }
0x99: {  	_ =	strace $0x8FFFFFFF  }
0x9a: {  	s19 =	sld [smem:$0x3FDB];
	_ =	sdelay $0x1  }
0x9b: {  	s6 =	simm.s32 $_scs_section_size  }
0x9c: {  	s7 =	simm.s32 $_size__tile_overlayer_lowered;
	s8 =	simm.s32 $_tile_overlayer_lowered  }
0x9d: {  	s22 =	simm.s32 $0x1BFF;
	s21 =	sshll.u32 s8, $0x1;
	s5 =	sadd.s32 s6, s19  }
0x9e: {  	s9 =	simm.s32 $0x0;
	s20 =	sshll.u32 s7, $0x1;
	s7 =	sadd.s32 s21, s5  }
0x9f: {  	[timem:s9], [sflag:s22] =	dma.local [hbm:s7], s20  }
0xa0: {  	_ =	swait.ge [sflag:s22], s20  }
0xa1: {  	s6 =	ssub.s32 $0x0, s20;
	[sflag:s22] =	ssyncset.done $0x0  }
0xa2: {  	[sflag:s22] =	ssyncadd.s32 s6;
	_ =	sdelay $0x1  }
0xa3: {  	s23 =	simm.s32 $0x1B8B  }
0xa4: {  	_ =	swait.ge [sflag:s23], $0x1  }
0xa5: {  	[sflag:s23] =	ssyncset.done $0x0  }
0xa6: {  	s25 =	simm.s32 $0x1B8E;
	s24 =	sld [smem:$0x3FFE];
	[sflag:s23] =	ssyncadd.s32 $0xFFFFFFFF  }
0xa7: {  	s26 =	simm.s32 $execute0_lowered;
	[smem:$0x3FD2] =	sst s25  }
0xa8: {  	s7 =	sshll.u32 s26, $0x1;
	_ =	strace $0x80000046;
	[dreg:$0x1] =	wrdreg $0xFFFFFFFF  }
0xa9: {  	s28 =	simm.s32 $_size_execute0_lowered;
	s5 =	sadd.s32 s5, s7;
	[dreg:$0x0] =	wrdreg $0x0  }
0xaa: {  	s7 =	sshll.u32 s28, $0x1;
	[dreg:$0x2] =	wrdreg s5  }
0xab: {  	[dreg:$0x3] =	wrdreg s7  }
0xac: {  	[dreg:$0x4] =	wrdreg $0xC0  }
0xad: {  	_ =	task [dreg:s9], $0x5FFFF  }
0xae: {  	[dreg:$0x1] =	wrdreg $0xFFFFFFFF  }
0xaf: {  	[dreg:$0x0] =	wrdreg $0x60  }
0xb0: {  	[dreg:$0x2] =	wrdreg s2  }
0xb1: {  	[dreg:$0x3] =	wrdreg s18  }
0xb2: {  	[dreg:$0x4] =	wrdreg s4  }
0xb3: {  	[dreg:$0x5] =	wrdreg s24  }
0xb4: {  	[dreg:$0x6] =	wrdreg $0x9  }
0xb5: {  	_ =	task.clear_ibuf [dreg:s9], $0x7FFFF;
	_ =	strace $0x90000046  }
0xb6: {  	s29 =	simm.s32 $0x9;
	_ =	strace $0x80000048  }
0xb7: {  	_ =	swait.ge [sflag:s29], $0x1  }
0xb8: {  	[sflag:s29] =	ssyncadd.s32 $0xFFFFFFFF  }
0xb9: {  	_ =	strace $0x90000048  }
0xba: {  	_ =	sfence  }
0xbb: {  	s30 =	sld [smem:$0x0];
	_ =	sdelay $0x2  }
0xbc: {  	s31 =	sshll.u32 s1, $0xD;
	s1 =	sshrl.u32 s1, $0x2  }
0xbd: {  	s3 =	sand.u32 $0x4000, s31;
	s1 =	sadd.s32 s1, s30  }
0xbe: {  	s0 =	sor.u32 s3, s0;
	s1 =	sshll.u32 s1, $0x11  }
0xbf: {  	s0 =	sor.u32 s1, s0  }
0xc0: {  	s0 =	sadd.s32 $0x8F2B, s0  }
0xc1: {  	[sflag:s0] =	ssyncadd.remote.s32 $0x1  }
0xc2: {  	_ =	sfence.sel $0xFFFF  }
0xc3: {  	[dreg:$0x0] =	wrdreg $0xFFFFFFFF;
	(pc) =	sbr.abs _section_cstart, $3  }
0xc4: {  	[dreg:$0x1] =	wrdreg $0xFFFFFFFF  }
0xc5: {  	_ =	task.clear_ibuf [dreg:s9], $0x2FFFF;
	_ =	strace $0x9FFFFFFF  }
0xc6: {  	(tm) =	ssettm $0x7FFFFFFF  }
0xc7: {  	_ =	shalt  }
tec
execute0_lowered:
.L_overlay_start_1:
0x0: {  	(tag) =	ssettag $0x1  }
0x1: {  	s5 =	rddreg [dreg:$0x0]  }
0x2: {  	s1 =	srdreg.scid;
	s6 =	rddreg [dreg:$0x1]  }
0x3: {  	s0 =	stileid.u32;
	s2 =	rddreg [dreg:$0x2]  }
0x4: {  	s7 =	rddreg [dreg:$0x3];
	s9 =	sand.u32 $0x1, s1;
	s30 =	sshll.u32 s0, $0x1  }
0x5: {  	s3 =	simm.s32 $0x0;
	s8 =	simm.s32 $0x1;
	s4 =	sor.u32 s9, s30  }
0x6: {  	s12 =	simm.s32 $0x14300;
	p1 =	seq.s32 s9, $0x1;
	p0 =	seq.s32 s4, $0x0  }
0x7: {  	s13 =	simm.s32 $0x0;
	[smem:$0x7FF] =	sst s3;
	p0 =	por !p0, !p1  }
0x8: {  	s1 =	rddreg [dreg:$0x4];
	_ =	strace $0x80000047;
	p0 =	por !p0, !p0  }
0x9: {  	s10 =	ssub.s32 $0x2, s9;
	s11 =	smul.u32 $0xC40, s9;
	s8 =	simm.s32 @!p0 $0x0  }
0xa: {  	s9 =	smul.u32 $0x7000, s9;
	s4 =	sshll.u32 s4, $0x4;
	s8 =	ssub.s32 s0, s8  }
0xb: {  	s31 =	sshrl.u32 s10, $0x1;
	s7 =	sadd.s32 s4, s7;
	s8 =	smul.u32 $0xE000, s8  }
0xc: {  	s10 =	ssub.s32 s10, s31;
	s4 =	simm.s32 $0x1;
	s6 =	sadd.s32 s6, s11  }
0xd: {  	s11 =	simm.s32 $0x14200;
	s7 =	sadd.s32 $0x400, s7;
	s8 =	sshrl.u32 s8, $0x3  }
0xe: {  	s5 =	sadd.s32 s5, s8;
	s8 =	smax.u32 s10, $0x1;
	s10 =	simm.s32 $0xE000  }
.LBB2_1:
0xf: {  	[tilespmem:s3], [sflag:$0x1] =	stream.linear.gather [hbm4b:s5+s3], $0xE000, $0x38;
	[tilespmem:$0x14380] =	vst v63  }
0x10: {  	_ =	swait.ge [sflag:s4], $0xE000  }
0x11: {  	[sflag:s4] =	ssyncset.done $0x0  }
0x12: {  	[sflag:s4] =	ssyncadd.s32 $0xFFFF2000  }
0x13: {  	[tilespmem:s10], [sflag:$0x1] =	stream.linear.gather [hbm4b:s6+s3], $0x6200, $0x38;
	[tilespmem:$0x14380] =	vst v63  }
0x14: {  	_ =	swait.ge [sflag:s4], $0x6200  }
0x15: {  	[sflag:s4] =	ssyncset.done $0x0  }
0x16: {  	[sflag:s4] =	ssyncadd.s32 $0xFFFF9E00  }
0x17: {  	[tilespmem:s11], [sflag:$0x1] =	stream.linear.gather [hbm4b:s2+s3], $0x100, $0x38;
	[tilespmem:$0x14380] =	vst v63  }
0x18: {  	_ =	swait.ge [sflag:s4], $0x100  }
0x19: {  	[sflag:s4] =	ssyncset.done $0x0  }
0x1a: {  	s14 =	simm.s32 $0xE070;
	[sflag:s4] =	ssyncadd.s32 $0xFFFFFF00  }
0x1b: {  	v1 =	vld [tilespmem:s14+$0x30]  }
0x1c: {  	v2 =	vld [tilespmem:s14+$0x40]  }
0x1d: {  	v4 =	vld [tilespmem:s14+$0x50]  }
0x1e: {  	v10 =	vld [tilespmem:s14+$0x0]  }
0x1f: {  	v12 =	vld [tilespmem:s14+$0x20]  }
0x20: {  	s15 =	sand.u32 $0x7FE0, s3;
	v5 =	vld [tilespmem:s14+$0x60]  }
0x21: {  	v13 =	vld [tilespmem:s15+$0xE080]  }
0x22: {  	v9 =	vld [tilespmem:s14+$0xFFFFFFF0]  }
0x23: {  	v0 =	vimm.f32 $0.0e+00;
	v14 =	vld [tilespmem:s14+$0xFFFFFFB0];
	v36 =	vand.u32 $0x7F, v1  }
0x24: {  	[tilespmem:$0x1FF90] =	vst v0;
	v16 =	vld [tilespmem:s14+$0xFFFFFFC0];
	v0 =	vand.u32 $0x7F, v2;
	v7 =	vand.u32 $0x7F, v10;
	v6 =	vand.u32 $0x7F, v12  }
0x25: {  	v21 =	vshrl.u32 v1, $0x9;
	v22 =	vshrl.u32 v2, $0x9;
	v23 =	vshrl.u32 v4, $0x9  }
0x26: {  	v33 =	vand.u32 $0x7F, v13;
	v24 =	vshrl.u32 v1, $0x8;
	v25 =	vshrl.u32 v5, $0x9  }
0x27: {  	v1 =	vshll.u32 v1, $0x3;
	v26 =	vshrl.u32 v2, $0x8;
	v3 =	vshll.u32 v2, $0x3  }
0x28: {  	v18 =	vld [tilespmem:s14+$0xFFFFFFD0];
	v27 =	vshrl.u32 v4, $0x8;
	v15 =	vshll.u32 v4, $0x3;
	v28 =	vshrl.u32 v5, $0x8  }
0x29: {  	v20 =	vld [tilespmem:s14+$0xFFFFFFE0];
	v11 =	vand.u32 $0x7F, v14;
	v8 =	vand.u32 $0x7F, v16;
	v30 =	vshrl.u32 v9, $0x9  }
0x2a: {  	v31 =	vshrl.u32 v9, $0x8;
	v35 =	vshrl.u32 v10, $0x9;
	v37 =	vshrl.u32 v12, $0x9  }
0x2b: {  	v38 =	vshll.u32 v9, $0x3;
	v39 =	vshrl.u32 v10, $0x8;
	v40 =	vshll.u32 v10, $0x3  }
0x2c: {  	v29 =	vld [tilespmem:s14+$0xFFFFFF90];
	v41 =	vshrl.u32 v13, $0x9;
	v42 =	vshrl.u32 v12, $0x8;
	v12 =	vshll.u32 v12, $0x3  }
0x2d: {  	v43 =	vshrl.u32 v14, $0x9;
	v44 =	vshrl.u32 v16, $0x9;
	v45 =	vshrl.u32 v18, $0x9  }
0x2e: {  	v46 =	vshrl.u32 v20, $0x9;
	v47 =	vshrl.u32 v13, $0x8;
	v48 =	vshrl.u32 v14, $0x8  }
0x2f: {  	v14 =	vshll.u32 v14, $0x3;
	v13 =	vshll.u32 v13, $0x3;
	v49 =	vshrl.u32 v16, $0x8  }
0x30: {  	v16 =	vshll.u32 v16, $0x3;
	v50 =	vshrl.u32 v18, $0x8;
	v51 =	vshll.u32 v18, $0x3  }
0x31: {  	v52 =	vshrl.u32 v20, $0x8;
	v53 =	vshll.u32 v20, $0x3;
	v54 =	vshrl.u32 v29, $0x8  }
0x32: {  	v55 =	vshrl.u32 v29, $0x9;
	v57 =	vshll.u32 v29, $0x3;
	[tilespmem:$0x1FFC0] =	vst v0;
	v0 =	vand.u32 $0x7F, v4  }
0x33: {  	v60 =	vand.u32 $0x380, v21;
	v61 =	vand.u32 $0x380, v22;
	v62 =	vand.u32 $0x380, v23  }
0x34: {  	v63 =	vand.u32 $0xFFF800, v24;
	v1 =	vand.u32 $0x7FC00, v1;
	v34 =	vand.u32 $0x380, v25  }
0x35: {  	v2 =	vand.u32 $0xFFF800, v26;
	v3 =	vand.u32 $0x7FC00, v3;
	[tilespmem:$0x1FFD0] =	vst v0;
	v0 =	vand.u32 $0x7F, v5  }
0x36: {  	v4 =	vand.u32 $0xFFF800, v27;
	v15 =	vand.u32 $0x7FC00, v15;
	[tilespmem:$0x1FFE0] =	vst v0;
	v0 =	vand.u32 $0x7F, v9  }
0x37: {  	v17 =	vand.u32 $0xFFF800, v28;
	v19 =	vand.u32 $0x380, v30;
	[tilespmem:$0x1FFF0] =	vst v0;
	v0 =	vand.u32 $0x7F, v18  }
0x38: {  	v32 =	vand.u32 $0x380, v35;
	v37 =	vand.u32 $0x380, v37;
	[tilespmem:$0x1FFA0] =	vst v0;
	v0 =	vand.u32 $0x7F, v20  }
0x39: {  	v35 =	vand.u32 $0xFFF800, v31;
	v38 =	vand.u32 $0x7FC00, v38;
	v39 =	vand.u32 $0xFFF800, v39;
	[tilespmem:$0x1FFB0] =	vst v0;
	v0 =	vld [tilespmem:$0x1FFC0]  }
0x3a: {  	v40 =	vand.u32 $0x7FC00, v40;
	v41 =	vand.u32 $0x380, v41;
	v42 =	vand.u32 $0xFFF800, v42  }
0x3b: {  	v43 =	vand.u32 $0x380, v43;
	v22 =	vand.u32 $0x380, v44;
	v44 =	vand.u32 $0x7FC00, v12  }
0x3c: {  	v12 =	vand.u32 $0xFFF800, v47;
	v14 =	vand.u32 $0x7FC00, v14;
	v3 =	vadd.s32 v3, v2  }
0x3d: {  	v13 =	vand.u32 $0x7FC00, v13;
	v30 =	vand.u32 $0x7FC00, v51;
	v3 =	vor.u32 v61, v3  }
0x3e: {  	v25 =	vand.u32 $0xFFF800, v52;
	v27 =	vand.u32 $0x7FC00, v53;
	v3 =	vor.u32 v0, v3;
	v0 =	vld [tilespmem:$0x1FFD0]  }
0x3f: {  	v26 =	vand.u32 $0xFFF800, v54;
	v23 =	vand.u32 $0x380, v55;
	v31 =	vand.u32 $0x7FC00, v57  }
0x40: {  	v5 =	vshll.u32 v5, $0x3;
	v12 =	vadd.s32 v13, v12;
	v4 =	vadd.s32 v15, v4  }
0x41: {  	v10 =	vld [tilespmem:s14+$0xFFFFFFA0];
	v1 =	vadd.s32 v1, v63;
	v12 =	vor.u32 v41, v12;
	v4 =	vor.u32 v62, v4  }
0x42: {  	v20 =	vand.u32 $0x380, v45;
	v45 =	vand.u32 $0xFFF800, v48;
	v48 =	vand.u32 $0xFFF800, v49  }
0x43: {  	v49 =	vand.u32 $0x7FC00, v16;
	v16 =	vor.u32 v33, v12;
	v33 =	vor.u32 v0, v4;
	v0 =	vld [tilespmem:$0x1FFE0]  }
0x44: {  	s31 =	sand.u32 $0xF800, s9;
	s16 =	sand.u32 $0x380, s3;
	v15 =	vadd.s32 v38, v35;
	v38 =	vimm.f32 $0.0e+00;
	v9 =	vand.u32 $0x7F, v29  }
0x45: {  	s18 =	sor.u32 s16, s31;
	v2 =	vld [tilespmem:$0x14200];
	v5 =	vand.u32 $0x7FC00, v5;
	v29 =	vand.u32 $0xFFF800, v50;
	v1 =	vor.u32 v60, v1  }
0x46: {  	v13 =	vld [tilespmem:s18+$0x430];
	v36 =	vor.u32 v36, v1;
	v5 =	vadd.s32 v5, v17;
	v59 =	vshll.u32 v10, $0x3  }
0x47: {  	v60 =	vor.u32 v19, v15;
	v19 =	vld [tilespmem:s18+$0x400];
	v28 =	vand.u32 $0x7FC00, v59;
	v59 =	vor.u32 v34, v5  }
0x48: {  	v15 =	vadd.s32 v40, v39;
	v62 =	vadd.s32 v44, v42;
	v35 =	vor.u32 v0, v59;
	v0 =	vld [tilespmem:$0x1FFF0]  }
0x49: {  	v40 =	vimm.f32 $0.0e+00;
	v39 =	vimm.f32 $0.0e+00;
	v18 =	vand.u32 $0x380, v46;
	v1 =	vld [tilespmem:$0x14280]  }
0x4a: {  	v61 =	vor.u32 v32, v15;
	v63 =	vor.u32 v37, v62;
	v56 =	vshrl.u32 v10, $0x9;
	v12 =	vld [tilespmem:s18+$0x420]  }
0x4b: {  	v58 =	vshrl.u32 v10, $0x8;
	v32 =	vor.u32 v7, v61;
	v21 =	vand.u32 $0x380, v56;
	v15 =	vld.idx.msk [tilespmem:v36+s3+$0x0], $0xffff  }
0x4c: {  	v24 =	vand.u32 $0xFFF800, v58;
	v14 =	vadd.s32 v14, v45;
	v37 =	vadd.s32 v49, v48;
	v16 =	vld.idx.msk [tilespmem:v16+s3+$0x0], $0xffff  }
0x4d: {  	s17 =	smov.u32 s9;
	s16 =	simm.s32 $0x0;
	s15 =	simm.s32 $0xE0;
	v34 =	vor.u32 v6, v63;
	v36 =	vor.u32 v43, v14;
	v14 =	vld.idx.msk [tilespmem:v3+s3+$0x0], $0xffff;
	v17 =	vor.u32 v0, v60  }
.LBB2_2:
0x4e: {  	_ =	sdelay $0x1  }
0x4f: {  	v29 =	vadd.s32 v30, v29;
	v30 =	vld.idx.msk [tilespmem:v33+s3+$0x0], $0xffff  }
0x50: {  	v0 =	vld [tilespmem:$0x1FFA0]  }
0x51: {  	v22 =	vor.u32 v22, v37;
	v17 =	vld.idx.msk [tilespmem:v17+s3+$0x0], $0xffff  }
0x52: {  	v8 =	vor.u32 v8, v22;
	v22 =	vadd.s32 v27, v25;
	v25 =	vld.idx.msk [tilespmem:v35+s3+$0x0], $0xffff  }
0x53: {  	v11 =	vor.u32 v11, v36;
	s14 =	sadd.s32 $0xE0, s14;
	v27 =	vld [tilespmem:s18+$0x30]  }
0x54: {  	v60 =	vld [tilespmem:s14+$0xFFFFFF90]  }
0x55: {  	v18 =	vor.u32 v18, v22;
	v22 =	vadd.s32 v28, v24;
	v24 =	vld [tilespmem:s18+$0x60]  }
0x56: {  	v15 =	vmul.f32 v15, v2;
	v20 =	vor.u32 v20, v29;
	v28 =	vld [tilespmem:s18+$0x0]  }
0x57: {  	v7 =	vor.u32 v0, v20;
	v0 =	vld [tilespmem:$0x1FFB0]  }
0x58: {  	v26 =	vadd.s32 v31, v26;
	v15 =	vadd.f32 v15, v1;
	v11 =	vld.idx.msk [tilespmem:v11+s3+$0x0], $0xffff  }
0x59: {  	v10 =	vand.u32 $0x7F, v10;
	v20 =	vor.u32 v23, v26;
	v17 =	vmul.f32 v17, v2;
	v23 =	vld [tilespmem:s18+$0x450]  }
0x5a: {  	v16 =	vmul.f32 v16, v2;
	v14 =	vmul.f32 v14, v2;
	v12 =	vsub.f32 v12, v15;
	v26 =	vld [tilespmem:s18+$0x20]  }
0x5b: {  	v9 =	vor.u32 v9, v20;
	v20 =	vor.u32 v21, v22;
	v21 =	vld.idx.msk [tilespmem:v34+s3+$0x0], $0xffff;
	v17 =	vadd.f32 v17, v1  }
0x5c: {  	v16 =	vadd.f32 v16, v1;
	v8 =	vld.idx.msk [tilespmem:v8+s3+$0x0], $0xffff;
	v22 =	vmul.f32 v25, v2;
	v14 =	vadd.f32 v14, v1  }
0x5d: {  	v12 =	vmul.f32 v12, v12;
	v10 =	vor.u32 v10, v20;
	v17 =	vsub.f32 v24, v17;
	v24 =	vld [tilespmem:s14+$0x40]  }
0x5e: {  	v57 =	vshrl.u32 v60, $0x8;
	v58 =	vshrl.u32 v60, $0x9;
	v6 =	vor.u32 v0, v18;
	v18 =	vld.idx.msk [tilespmem:v32+s3+$0x0], $0xffff  }
0x5f: {  	v20 =	vmul.f32 v30, v2;
	v16 =	vsub.f32 v19, v16;
	v7 =	vld.idx.msk [tilespmem:v7+s3+$0x0], $0xffff;
	v11 =	vmul.f32 v11, v2  }
0x60: {  	v22 =	vadd.f32 v22, v1;
	v13 =	vsub.f32 v13, v14;
	v9 =	vld.idx.msk [tilespmem:v9+s3+$0x0], $0xffff;
	v19 =	vmul.f32 v21, v2  }
0x61: {  	v20 =	vadd.f32 v20, v1;
	v21 =	vld [tilespmem:s18+$0x440];
	v8 =	vmul.f32 v8, v2;
	v11 =	vadd.f32 v11, v1  }
0x62: {  	v16 =	vmul.f32 v16, v16;
	v13 =	vmul.f32 v13, v13;
	v10 =	vld.idx.msk [tilespmem:v10+s3+$0x0], $0xffff;
	v19 =	vadd.f32 v19, v1  }
0x63: {  	v15 =	vld [tilespmem:s18+$0x40];
	v8 =	vadd.f32 v8, v1;
	v11 =	vsub.f32 v26, v11;
	v30 =	vshrl.u32 v24, $0x9  }
0x64: {  	v25 =	vld [tilespmem:s18+$0x70];
	v35 =	vshrl.u32 v24, $0x8;
	v18 =	vmul.f32 v18, v2;
	v7 =	vmul.f32 v7, v2  }
0x65: {  	v26 =	vld [tilespmem:s14+$0xFFFFFFC0];
	v8 =	vsub.f32 v27, v8;
	v63 =	vand.u32 $0x380, v30;
	v35 =	vand.u32 $0xFFF800, v35  }
0x66: {  	v6 =	vld.idx.msk [tilespmem:v6+s3+$0x0], $0xffff;
	v9 =	vmul.f32 v9, v2;
	v14 =	vsub.f32 v21, v20;
	v21 =	vsub.f32 v23, v22  }
0x67: {  	v27 =	vld [tilespmem:s14+$0xFFFFFFD0];
	v11 =	vmul.f32 v11, v11;
	v18 =	vadd.f32 v18, v1;
	v10 =	vmul.f32 v10, v2  }
0x68: {  	v29 =	vld [tilespmem:s18+$0x10];
	v7 =	vadd.f32 v7, v1;
	v8 =	vmul.f32 v8, v8;
	v9 =	vadd.f32 v9, v1  }
0x69: {  	v22 =	vld [tilespmem:s18+$0x410];
	v3 =	vadd.f32 v11, v38;
	v38 =	vshll.u32 v60, $0x3;
	v10 =	vadd.f32 v10, v1  }
0x6a: {  	v23 =	vld [tilespmem:s14+$0x30];
	v18 =	vsub.f32 v25, v18;
	v7 =	vsub.f32 v15, v7;
	v15 =	vmul.f32 v17, v17  }
0x6b: {  	v4 =	vadd.f32 v8, v39;
	v49 =	vshrl.u32 v26, $0x9;
	v54 =	vshrl.u32 v26, $0x8  }
0x6c: {  	v0 =	vld [tilespmem:$0x1FF90];
	v6 =	vmul.f32 v6, v2;
	v9 =	vsub.f32 v28, v9;
	v50 =	vshrl.u32 v27, $0x9  }
0x6d: {  	v20 =	vld [tilespmem:s18+$0x50];
	v55 =	vshrl.u32 v27, $0x8;
	v54 =	vand.u32 $0xFFF800, v54;
	v10 =	vsub.f32 v29, v10  }
0x6e: {  	v25 =	vld [tilespmem:s14+$0xFFFFFFB0];
	v7 =	vmul.f32 v7, v7;
	v17 =	vsub.f32 v22, v19;
	v8 =	vmul.f32 v18, v18  }
0x6f: {  	v3 =	vadd.f32 v15, v3;
	v29 =	vshrl.u32 v23, $0x9;
	v6 =	vadd.f32 v6, v1  }
0x70: {  	v9 =	vmul.f32 v9, v9;
	v62 =	vand.u32 $0x380, v29;
	v29 =	vand.u32 $0xFFF800, v55  }
0x71: {  	v28 =	vld [tilespmem:s14+$0xFFFFFFE0];
	v10 =	vmul.f32 v10, v10;
	v4 =	vadd.f32 v8, v4;
	v12 =	vadd.f32 v12, v3  }
0x72: {  	v8 =	vand.u32 $0x7F, v26;
	v26 =	vshll.u32 v26, $0x3;
	v6 =	vsub.f32 v20, v6  }
0x73: {  	v22 =	vld [tilespmem:s14+$0x60];
	v0 =	vadd.f32 v9, v0;
	v11 =	vand.u32 $0x7F, v25;
	v48 =	vshrl.u32 v25, $0x9  }
0x74: {  	v18 =	vld [tilespmem:s14+$0x20];
	v53 =	vshrl.u32 v25, $0x8;
	v25 =	vshll.u32 v25, $0x3;
	v5 =	vadd.f32 v10, v40  }
0x75: {  	v3 =	vadd.f32 v13, v4;
	v13 =	vand.u32 $0x7F, v24;
	v24 =	vshll.u32 v24, $0x3  }
0x76: {  	v51 =	vshrl.u32 v28, $0x9;
	v56 =	vshrl.u32 v28, $0x8;
	v48 =	vand.u32 $0x380, v48  }
0x77: {  	v6 =	vmul.f32 v6, v6;
	v0 =	vadd.f32 v7, v0;
	v7 =	vmul.f32 v14, v14  }
0x78: {  	v20 =	vld [tilespmem:s14+$0x50];
	v14 =	vand.u32 $0x7F, v23;
	v34 =	vshrl.u32 v22, $0x9;
	v37 =	vshrl.u32 v22, $0x8  }
0x79: {  	v9 =	vld [tilespmem:s14+$0xFFFFFFF0];
	v42 =	vshrl.u32 v18, $0x9;
	v47 =	vshrl.u32 v18, $0x8;
	v4 =	vand.u32 $0x7FC00, v24  }
0x7a: {  	v34 =	vand.u32 $0x380, v34;
	v37 =	vand.u32 $0xFFF800, v37;
	v42 =	vand.u32 $0x380, v42  }
0x7b: {  	v47 =	vand.u32 $0xFFF800, v47;
	v4 =	vadd.s32 v4, v35;
	v5 =	vadd.f32 v6, v5  }
0x7c: {  	v6 =	vmul.f32 v17, v17;
	v0 =	vadd.f32 v16, v0;
	v16 =	vand.u32 $0x7F, v22  }
0x7d: {  	v10 =	vld [tilespmem:s14+$0x0];
	v22 =	vshll.u32 v22, $0x3;
	v4 =	vor.u32 v63, v4;
	v19 =	vand.u32 $0x7F, v20  }
0x7e: {  	v17 =	vand.u32 $0x7F, v9;
	v31 =	vshrl.u32 v20, $0x9;
	v36 =	vshrl.u32 v20, $0x8  }
0x7f: {  	v20 =	vshll.u32 v20, $0x3;
	v39 =	vshrl.u32 v9, $0x9;
	v40 =	vshrl.u32 v9, $0x8  }
0x80: {  	v43 =	vshll.u32 v9, $0x3;
	v9 =	vand.u32 $0x7F, v60;
	v4 =	vor.u32 v13, v4  }
0x81: {  	v5 =	vadd.f32 v6, v5;
	v6 =	vmul.f32 v21, v21;
	v0 =	vadd.f32 v7, v0  }
0x82: {  	v41 =	vshrl.u32 v10, $0x9;
	v44 =	vshrl.u32 v10, $0x8;
	v45 =	vshll.u32 v10, $0x3  }
0x83: {  	v36 =	vand.u32 $0xFFF800, v36;
	v39 =	vand.u32 $0x380, v39;
	v40 =	vand.u32 $0xFFF800, v40  }
0x84: {  	v43 =	vand.u32 $0x7FC00, v43;
	v7 =	vand.u32 $0x7FC00, v26;
	v26 =	vand.u32 $0xFFF800, v57  }
0x85: {  	v41 =	vand.u32 $0x380, v41;
	v44 =	vand.u32 $0xFFF800, v44;
	v45 =	vand.u32 $0x7FC00, v45  }
0x86: {  	s30 =	sand.u32 $0x7FE0, s15;
	[tilespmem:$0x1FF90] =	vst v0;
	v15 =	vadd.f32 v6, v5;
	v0 =	vand.u32 $0x7F, v10;
	v5 =	vshrl.u32 v23, $0x8  }
0x87: {  	v21 =	vld [tilespmem:s30+$0xE080];
	v23 =	vshll.u32 v23, $0x3;
	v6 =	vand.u32 $0x7FC00, v22;
	v22 =	vand.u32 $0x380, v49  }
0x88: {  	[tilespmem:$0x1FF70] =	vst v0;
	v0 =	vand.u32 $0x7F, v18;
	v18 =	vshll.u32 v18, $0x3;
	v33 =	vand.u32 $0xFFF800, v5  }
0x89: {  	[tilespmem:$0x1FF60] =	vst v3;
	v3 =	vand.u32 $0x7FC00, v23;
	v5 =	vand.u32 $0x7FC00, v20;
	v20 =	vand.u32 $0x380, v50  }
0x8a: {  	v23 =	vand.u32 $0x380, v58;
	[tilespmem:$0x1FF80] =	vst v0;
	v0 =	vand.u32 $0x7F, v27;
	v27 =	vshll.u32 v27, $0x3  }
0x8b: {  	v49 =	vand.u32 $0x7FC00, v18;
	v18 =	vand.u32 $0x380, v51;
	v51 =	vand.u32 $0xFFF800, v53  }
0x8c: {  	v3 =	vadd.s32 v3, v33;
	v5 =	vadd.s32 v5, v36;
	v32 =	vand.u32 $0x7F, v21  }
0x8d: {  	v10 =	vld [tilespmem:s14+$0xFFFFFFA0];
	[tilespmem:$0x1FFA0] =	vst v0;
	v0 =	vand.u32 $0x7F, v28;
	v46 =	vshrl.u32 v21, $0x9;
	v52 =	vshrl.u32 v21, $0x8  }
0x8e: {  	v21 =	vshll.u32 v21, $0x3;
	v28 =	vshll.u32 v28, $0x3;
	v3 =	vor.u32 v62, v3  }
0x8f: {  	s16 =	sadd.s32 $0x80, s16;
	s17 =	sadd.s32 $0x100, s17;
	v30 =	vand.u32 $0x7FC00, v27;
	v63 =	vadd.s32 v49, v47;
	v3 =	vor.u32 v14, v3  }
0x90: {  	s31 =	sand.u32 $0xF800, s17;
	s19 =	sand.u32 $0x380, s16;
	[tilespmem:$0x1FFB0] =	vst v0;
	v0 =	vand.u32 $0x380, v31;
	v46 =	vand.u32 $0x380, v46;
	v50 =	vand.u32 $0xFFF800, v52  }
0x91: {  	s18 =	sor.u32 s19, s31;
	v52 =	vand.u32 $0x7FC00, v25;
	v53 =	vand.u32 $0x7FC00, v21;
	v25 =	vand.u32 $0xFFF800, v56  }
0x92: {  	v13 =	vld [tilespmem:s18+$0x430];
	v27 =	vand.u32 $0x7FC00, v28;
	v61 =	vshll.u32 v10, $0x3;
	v50 =	vadd.s32 v53, v50  }
0x93: {  	v14 =	vld [tilespmem:$0x1FF70];
	v28 =	vand.u32 $0x7FC00, v61;
	v46 =	vor.u32 v46, v50;
	v61 =	vadd.s32 v6, v37  }
0x94: {  	v31 =	vand.u32 $0x7FC00, v38;
	v6 =	vadd.s32 v43, v40;
	v40 =	vmovc v15;
	v32 =	vor.u32 v32, v46;
	v15 =	vld.idx.msk [tilespmem:v3+s3+$0x0], $0xffff  }
0x95: {  	p0 =	sne.s32 s15, $0x6120;
	v59 =	vshrl.u32 v10, $0x9;
	v60 =	vshrl.u32 v10, $0x8;
	v0 =	vor.u32 v0, v5;
	v3 =	vld [tilespmem:$0x1FF80]  }
.Ltmp0:
0x96: {  	v38 =	vmovc v12;
	v12 =	vld [tilespmem:s18+$0x420];
	v21 =	vand.u32 $0x380, v59;
	v24 =	vand.u32 $0xFFF800, v60;
	v33 =	vor.u32 v19, v0;
	(pc) =	sbr.rel @p0 .LBB2_2-.Ltmp0, $4  }
0x97: {  	v19 =	vld [tilespmem:s18+$0x400];
	v0 =	vor.u32 v34, v61;
	v62 =	vor.u32 v39, v6;
	v6 =	vadd.s32 v45, v44  }
0x98: {  	v37 =	vadd.s32 v7, v54;
	v39 =	vld [tilespmem:$0x1FF60];
	v35 =	vor.u32 v16, v0;
	v0 =	vor.u32 v41, v6  }
0x99: {  	v6 =	vadd.s32 v52, v51;
	v16 =	vld.idx.msk [tilespmem:v32+s3+$0x0], $0xffff;
	v32 =	vor.u32 v14, v0;
	v0 =	vor.u32 v42, v63  }
0x9a: {  	s15 =	sadd.s32 $0xE0, s15;
	v17 =	vor.u32 v17, v62;
	v36 =	vor.u32 v48, v6;
	v14 =	vld.idx.msk [tilespmem:v4+s3+$0x0], $0xffff;
	v34 =	vor.u32 v3, v0  }
0x9b: {  	_ =	sdelay $0x3  }
0x9c: {  	v5 =	vld.idx.msk [tilespmem:v33+s3+$0x0], $0xffff  }
0x9d: {  	v7 =	vld.idx.msk [tilespmem:v35+s3+$0x0], $0xffff  }
0x9e: {  	v6 =	vadd.s32 v27, v25;
	v25 =	vadd.s32 v31, v26;
	v26 =	vld [tilespmem:$0x1FFA0]  }
0x9f: {  	v27 =	vld.idx.msk [tilespmem:v17+s3+$0x0], $0xffff  }
0xa0: {  	v4 =	vadd.s32 v30, v29;
	v30 =	vld [tilespmem:$0x1FFB0]  }
0xa1: {  	v31 =	vld.idx.msk [tilespmem:v32+s3+$0x0], $0xffff  }
0xa2: {  	v34 =	vld.idx.msk [tilespmem:v34+s3+$0x0], $0xffff  }
0xa3: {  	v3 =	vor.u32 v22, v37;
	v37 =	vld [tilespmem:s18+$0x440]  }
0xa4: {  	v0 =	vor.u32 v11, v36;
	v29 =	vadd.s32 v28, v24;
	v15 =	vmul.f32 v15, v2;
	v41 =	vld [tilespmem:s18+$0x450]  }
0xa5: {  	v32 =	vand.u32 $0x7F, v10;
	v42 =	vld [tilespmem:s18+$0x60];
	v3 =	vor.u32 v8, v3;
	v4 =	vor.u32 v20, v4  }
0xa6: {  	v43 =	vld [tilespmem:s18+$0x70];
	v6 =	vor.u32 v18, v6;
	v8 =	vor.u32 v23, v25;
	v15 =	vadd.f32 v15, v1  }
0xa7: {  	v44 =	vld [tilespmem:s18+$0x20];
	v33 =	vor.u32 v21, v29;
	v8 =	vor.u32 v9, v8;
	v35 =	vmul.f32 v16, v2  }
0xa8: {  	v46 =	vld [tilespmem:s18+$0x30];
	v9 =	vor.u32 v32, v33;
	v14 =	vmul.f32 v14, v2;
	v50 =	vsub.f32 v12, v15  }
0xa9: {  	v54 =	vld [tilespmem:s18+$0x410];
	v4 =	vor.u32 v26, v4;
	v10 =	vadd.f32 v35, v1;
	v5 =	vmul.f32 v5, v2  }
0xaa: {  	v6 =	vor.u32 v30, v6;
	v0 =	vld.idx.msk [tilespmem:v0+s3+$0x0], $0xffff;
	v7 =	vmul.f32 v7, v2;
	v11 =	vmul.f32 v27, v2  }
0xab: {  	v36 =	vmul.f32 v31, v2;
	v3 =	vld.idx.msk [tilespmem:v3+s3+$0x0], $0xffff;
	v14 =	vadd.f32 v14, v1;
	v10 =	vsub.f32 v19, v10  }
0xac: {  	v17 =	vmul.f32 v34, v2;
	v8 =	vld.idx.msk [tilespmem:v8+s3+$0x0], $0xffff;
	v5 =	vadd.f32 v5, v1;
	v7 =	vadd.f32 v7, v1  }
0xad: {  	v9 =	vld.idx.msk [tilespmem:v9+s3+$0x0], $0xffff;
	v11 =	vadd.f32 v11, v1;
	v16 =	vadd.f32 v36, v1  }
0xae: {  	v17 =	vadd.f32 v17, v1;
	v13 =	vsub.f32 v13, v14;
	v4 =	vld.idx.msk [tilespmem:v4+s3+$0x0], $0xffff  }
0xaf: {  	v5 =	vsub.f32 v37, v5;
	v11 =	vsub.f32 v42, v11;
	v6 =	vld.idx.msk [tilespmem:v6+s3+$0x0], $0xffff  }
0xb0: {  	v47 =	vld [tilespmem:s18+$0x0];
	v7 =	vsub.f32 v41, v7;
	v55 =	vmul.f32 v10, v10;
	v0 =	vmul.f32 v0, v2  }
0xb1: {  	v48 =	vld [tilespmem:s18+$0x10];
	v53 =	vsub.f32 v43, v16;
	v56 =	vmul.f32 v13, v13;
	v8 =	vmul.f32 v8, v2  }
0xb2: {  	v51 =	vld [tilespmem:s18+$0x40];
	v57 =	vsub.f32 v54, v17;
	v3 =	vmul.f32 v3, v2;
	v45 =	vmul.f32 v9, v2  }
0xb3: {  	v52 =	vld [tilespmem:s18+$0x50];
	v0 =	vadd.f32 v0, v1;
	v8 =	vadd.f32 v8, v1;
	v4 =	vmul.f32 v4, v2  }
0xb4: {  	v58 =	vld [tilespmem:$0x1FF90];
	v3 =	vadd.f32 v3, v1;
	v49 =	vadd.f32 v45, v1;
	v6 =	vmul.f32 v6, v2  }
0xb5: {  	v11 =	vmul.f32 v11, v11;
	v8 =	vsub.f32 v47, v8;
	v4 =	vadd.f32 v4, v1  }
0xb6: {  	v59 =	vmul.f32 v53, v53;
	v6 =	vadd.f32 v6, v1;
	v1 =	vsub.f32 v48, v49  }
0xb7: {  	v0 =	vsub.f32 v44, v0;
	v3 =	vsub.f32 v46, v3;
	v8 =	vmul.f32 v8, v8  }
0xb8: {  	v4 =	vsub.f32 v51, v4;
	v1 =	vmul.f32 v1, v1;
	v6 =	vsub.f32 v52, v6  }
0xb9: {  	v0 =	vmul.f32 v0, v0;
	v3 =	vmul.f32 v3, v3;
	v8 =	vadd.f32 v8, v58  }
0xba: {  	v4 =	vmul.f32 v4, v4;
	v1 =	vadd.f32 v1, v40;
	v6 =	vmul.f32 v6, v6  }
0xbb: {  	v60 =	vmul.f32 v57, v57;
	v0 =	vadd.f32 v0, v38;
	v3 =	vadd.f32 v3, v39  }
0xbc: {  	v5 =	vmul.f32 v5, v5;
	v4 =	vadd.f32 v4, v8;
	v1 =	vadd.f32 v6, v1  }
0xbd: {  	v2 =	vmul.f32 v50, v50;
	v0 =	vadd.f32 v11, v0;
	v3 =	vadd.f32 v59, v3  }
0xbe: {  	v61 =	vmul.f32 v7, v7;
	v4 =	vadd.f32 v55, v4;
	v1 =	vadd.f32 v60, v1  }
0xbf: {  	v0 =	vadd.f32 v2, v0;
	v62 =	vadd.f32 v56, v3  }
0xc0: {  	v63 =	vadd.f32 v5, v4;
	v1 =	vadd.f32 v61, v1;
	_ =	sdelay $0x1  }
0xc1: {  	v0 =	vadd.f32 v62, v0;
	v1 =	vadd.f32 v1, v63;
	_ =	sdelay $0x1  }
0xc2: {  	s13 =	sadd.s32 $0x1, s13;
	v0 =	vadd.f32 v0, v1  }
0xc3: {  	p0 =	sne.s32 s13, s8  }
.Ltmp1:
0xc4: {  	[tilespmem:$0x14300] =	vst v0;
	(pc) =	sbr.rel @p0 .LBB2_1-.Ltmp1, $4  }
0xc5: {  	[hbm4b:s7+s3] =	stream.linear.scatter [tilespmem:s12], [sflag:$0x1], $0x80, $0x38;
	[tilespmem:$0x14380] =	vst v63  }
0xc6: {  	_ =	swait.ge [sflag:s4], $0x80  }
0xc7: {  	[sflag:s4] =	ssyncset.done $0x0  }
0xc8: {  	[sflag:s4] =	ssyncadd.s32 $0xFFFFFF80  }
0xc9: {  	_ =	sfence.sel $0x180000  }
0xca: {  	[bflag:$0x0] =	sbarrier.arrive $0xFFFF  }
0xcb: {  	p0 =	sne.s32 s0, $0x0;
	_ =	strace $0x90000047  }
0xcc: {  	s0 =	sadd.s32 @!p0 $0x100000, s1;
	[bflag:$0x2] =	sbarrier.arrive $0xFFFF  }
0xcd: {  	[sflag:s0] =	ssyncadd.tile.s32 @!p0 $0x1;
	_ =	shalt  }
.Lfunc_end2:
_tile_overlayer_lowered:
.L_overlay_start_2:
0xce: {  	(tag) =	ssettag $0x2  }
0xcf: {  	s0 =	rddreg [dreg:$0x0];
	s2 =	stileid.u32  }
0xd0: {  	s1 =	rddreg [dreg:$0x1];
	p0 =	sne.s32 s2, $0x0  }
0xd1: {  	s3 =	rddreg [dreg:$0x2];
	[bflag:$0x3] =	sbarrier.arrive $0xFFFF;
	s2 =	simm.s32 @!p0 $0x1C01  }
0xd2: {  	[timem:s3], [sflag:s2] =	dma.local @!p0 [hbm:s0], s1  }
0xd3: {  	s0 =	simm.s32 @!p0 $0x1  }
0xd4: {  	_ =	swait.ge @!p0 [sflag:s0], s1  }
0xd5: {  	s1 =	ssub.s32 @!p0 $0x0, s1;
	[sflag:s0] =	ssyncset.done @!p0 $0x0  }
0xd6: {  	[sflag:s0] =	ssyncadd.s32 @!p0 s1  }
0xd7: {  	[bflag:$0x3] =	sbarrier.arrive $0xFFFF  }
0xd8: {  	_ =	shalt  }

</sc_bundles>
